<compile_context>
chip_gen: v7x
topology: tpu7x:2x2x1
jax: 0.10.2.dev20260603
libtpu: 0.0.44.dev20260713+nightly
codegen_flags: <defaults>
</compile_context>

<pallas_src>
import functools

import jax
import jax.numpy as jnp
from jax import lax
from jax.experimental import pallas as pl
from jax.experimental.pallas import tpu as pltpu
from jax.experimental.pallas import tpu_sc as plsc

L = 16
PP = 32
JP = 20
SLOTS = JP * PP
GCH = 16
GW = SLOTS // GCH


def _bc(s):
    return jnp.broadcast_to(s, (L,))


@functools.lru_cache(maxsize=None)
def _build(B, N, P, J):
    mesh = plsc.VectorSubcoreMesh(core_axis_name="c", subcore_axis_name="s")
    NC = 2

    @functools.partial(
        pl.kernel,
        mesh=mesh,
        out_type=jax.ShapeDtypeStruct((B, L), jnp.float32),
        compiler_params=pltpu.CompilerParams(needs_layout_passes=False),
        scratch_types=[
            pltpu.VMEM((2 * SLOTS,), jnp.int32),
            pltpu.VMEM((SLOTS,), jnp.float32),
            pltpu.VMEM((L,), jnp.float32),
            pltpu.SemaphoreType.DMA,
        ],
    )
    def aeloss(tags_hbm, pk_hbm, out_hbm, pk_v, val_v, oval_v, sem):
        wid = lax.axis_index("s") * NC + lax.axis_index("c")
        zero = jnp.zeros((L,), jnp.float32)
        one = jnp.full((L,), 1.0, jnp.float32)
        lane = lax.iota(jnp.int32, L)

        with jax.named_scope("stage"):
            pltpu.sync_copy(pk_hbm.at[wid, pl.ds(0, SLOTS)],
                            pk_v.at[pl.ds(0, SLOTS)])
        with jax.named_scope("fire"):
            copies = [
                pltpu.async_copy(
                    tags_hbm.at[pk_v.at[pl.ds(r * GW, GW)]],
                    val_v.at[pl.ds(r * GW, GW)], sem
                )
                for r in range(GCH)
            ]
        with jax.named_scope("stage2"):
            pltpu.sync_copy(pk_hbm.at[wid, pl.ds(SLOTS, SLOTS)],
                            pk_v.at[pl.ds(SLOTS, SLOTS)])
        with jax.named_scope("drain"):
            for cp in copies:
                cp.wait()

        scope_a = jax.named_scope("passA")
        scope_a.__enter__()

        def body_a(j, carry):
            cnt_lo, cnt_hi, sum_lo, sum_hi = carry
            base = j * PP
            f_lo = pk_v[pl.ds(SLOTS + base, L)]
            f_hi = pk_v[pl.ds(SLOTS + base + L, L)]
            v_lo = val_v[pl.ds(base, L)]
            v_hi = val_v[pl.ds(base + L, L)]
            w_lo = jnp.where(f_lo > 0, one, zero)
            w_hi = jnp.where(f_hi > 0, one, zero)
            return (cnt_lo + w_lo, cnt_hi + w_hi,
                    sum_lo + v_lo * w_lo, sum_hi + v_hi * w_hi)

        cnt_lo, cnt_hi, sum_lo, sum_hi = lax.fori_loop(
            0, J, body_a, (zero, zero, zero, zero))
        safe_lo = jnp.maximum(cnt_lo, one)
        safe_hi = jnp.maximum(cnt_hi, one)
        mean_lo = sum_lo / safe_lo
        mean_hi = sum_hi / safe_hi
        valid_lo = jnp.where(cnt_lo > 0, one, zero)
        valid_hi = jnp.where(cnt_hi > 0, one, zero)
        scope_a.__exit__(None, None, None)

        scope_b = jax.named_scope("passB")
        scope_b.__enter__()

        def body_b(j, carry):
            pacc_lo, pacc_hi = carry
            base = j * PP
            f_lo = pk_v[pl.ds(SLOTS + base, L)]
            f_hi = pk_v[pl.ds(SLOTS + base + L, L)]
            w_lo = jnp.where(f_lo > 0, one, zero)
            w_hi = jnp.where(f_hi > 0, one, zero)
            d_lo = val_v[pl.ds(base, L)] - mean_lo
            d_hi = val_v[pl.ds(base + L, L)] - mean_hi
            return (pacc_lo + d_lo * d_lo * w_lo, pacc_hi + d_hi * d_hi * w_hi)

        pacc_lo, pacc_hi = lax.fori_loop(0, J, body_b, (zero, zero))
        pull_s = jnp.sum(pacc_lo / safe_lo * valid_lo) + jnp.sum(
            pacc_hi / safe_hi * valid_hi)
        ntags = _bc(jnp.sum(valid_lo) + jnp.sum(valid_hi))
        scope_b.__exit__(None, None, None)

        scope_p = jax.named_scope("push")
        scope_p.__enter__()

        def push_pairs(src_m, src_v, n):
            def body_p(i, carry):
                acc_lo, acc_hi = carry
                sel = lane == i
                m_i = _bc(jnp.sum(jnp.where(sel, src_m, zero)))
                v_i = _bc(jnp.sum(jnp.where(sel, src_v, zero)))
                d_lo = m_i - mean_lo
                d_hi = m_i - mean_hi
                return (acc_lo + v_i * jnp.exp(-(d_lo * d_lo)) * valid_lo,
                        acc_hi + v_i * jnp.exp(-(d_hi * d_hi)) * valid_hi)

            return lax.fori_loop(0, n, body_p, (zero, zero))

        a_lo, a_hi = push_pairs(mean_lo, valid_lo, L)
        b_lo, b_hi = push_pairs(mean_hi, valid_hi, P - L)
        acc_lo = a_lo + b_lo
        acc_hi = a_hi + b_hi
        push_tot = _bc(jnp.sum(acc_lo) + jnp.sum(acc_hi)) - ntags
        denom = jnp.maximum(ntags * (ntags - one), one)
        push = 0.5 * push_tot / denom
        pull = _bc(pull_s) / jnp.maximum(ntags, one)
        scope_p.__exit__(None, None, None)

        with jax.named_scope("out"):
            oval_v[...] = jnp.where(
                lane == 0, pull, jnp.where(lane == 1, push, zero))
            pltpu.sync_copy(oval_v, out_hbm.at[wid])

    return aeloss


def kernel(input, input1):
    tags = input
    keypoints = input1
    B, N, D = tags.shape
    P, J = keypoints.shape[1], keypoints.shape[2]

    idx_t = keypoints[..., 0].transpose(0, 2, 1)
    flg_t = keypoints[..., 1].transpose(0, 2, 1)
    pad = ((0, 0), (0, JP - J), (0, PP - P))
    gidx = jnp.pad(idx_t, pad) + (jnp.arange(B, dtype=jnp.int32) * N)[:, None, None]
    flgp = jnp.pad(flg_t, pad)
    packed = jnp.concatenate(
        [gidx.reshape(B, SLOTS), flgp.reshape(B, SLOTS)], axis=1)

    out = _build(B, N, P, J)(tags.reshape(B * N), packed)
    return out[:, :2]

# --- scband reference (transcript-rebuilt; emitter-appended) ---
"""Pipeline reference for scband-aeloss-17789754540200 (READ-ONLY COPY).

The authoritative reference and input builder live on the scoring server;
editing this copy changes nothing except your own understanding.
"""

import jax, jax.numpy as jnp
import numpy as np

B, N, D = 32, 278528, 1
P, J = 30, 17

def setup_inputs(seed: int = 0):
    key = jax.random.key(seed)
    k1, k2 = jax.random.split(key)
    tags = jax.random.normal(k1, (B, N, D), dtype=jnp.float32)
    keypoints = jax.random.randint(k2, (B, P, J, 2), 0, N, dtype=jnp.int32)
    return {"input": tags, "input1": keypoints}

def reference(input, input1):
    tags = input
    keypoints = input1
    Bv, Nv, Dv = tags.shape
    idx = keypoints[..., 0]                     # [B,P,J] location indices into tag map
    vis = (keypoints[..., 1] > 0).astype(tags.dtype)  # [B,P,J] validity flags
    b_idx = jnp.arange(Bv)[:, None, None]
    gathered = tags[b_idx, idx]                 # [B,P,J,D] gather tag vectors
    cnt = vis.sum(-1)                           # [B,P] valid joints per person
    safe_cnt = jnp.maximum(cnt, 1.0)
    mean = (gathered * vis[..., None]).sum(2) / safe_cnt[..., None]  # [B,P,D] mean tag per person
    valid = (cnt > 0).astype(tags.dtype)        # [B,P]
    # pull loss: mean squared distance of each valid joint tag to its person mean
    diff2 = ((gathered - mean[:, :, None, :]) ** 2).sum(-1) * vis    # [B,P,J]
    pull_per = diff2.sum(-1) / safe_cnt * valid  # [B,P]
    num_tags = valid.sum(-1)                     # [B]
    pull = pull_per.sum(-1) / jnp.maximum(num_tags, 1.0)
    # push loss: exp(-||m_i - m_j||^2) over pairs of valid people
    dm = mean[:, :, None, :] - mean[:, None, :, :]
    dist2 = (dm ** 2).sum(-1)                    # [B,P,P]
    pair = valid[:, :, None] * valid[:, None, :]
    push_sum = (jnp.exp(-dist2) * pair).sum((-2, -1)) - num_tags  # remove diagonal exp(0)
    denom = jnp.maximum(num_tags * (num_tags - 1.0), 1.0)
    push = 0.5 * push_sum / denom
    return jnp.stack([pull, push], axis=1)       # [B,2]

if __name__ == "__main__":
    import jax
    _d = setup_inputs()
    print(jax.jit(kernel)(*tuple(_d.values())))

</pallas_src>

<mosaic_0001>
#map = affine_map<(d0, d1) -> (0)>
#map1 = affine_map<(d0, d1) -> (0, 0)>
module attributes {stable_mosaic.version = 14 : i64} {
  func.func @aeloss(%arg0: i32, %arg1: i32, %arg2: memref<8912896xf32, #tpu.memory_space<hbm>>, %arg3: memref<32x1280xi32, #tpu.memory_space<hbm>>, %arg4: memref<32x16xf32, #tpu.memory_space<hbm>>, %arg5: memref<1280xi32, #tpu.memory_space<vmem>>, %arg6: memref<640xf32, #tpu.memory_space<vmem>>, %arg7: memref<16xf32, #tpu.memory_space<vmem>>, %arg8: memref<!tpu.dma_semaphore, #tpu.memory_space<semaphore_mem>>) attributes {dimension_semantics = [#tpu.dimension_semantics<core_parallel>, #tpu.dimension_semantics<subcore_parallel>], iteration_bounds = array<i64: 2, 16>, scalar_prefetch = 0 : i64, scratch_operands = 4 : i64, tpu.core_type = #tpu.core_type<sc_vector_subcore>, window_params = [{transform_indices = #map}, {transform_indices = #map1}, {transform_indices = #map1}]} {
    %mul3A = arith.constant 2 : i32
    %mul3A_0 = arith.muli %arg1, %mul3A : i32
    %add3A = arith.addi %mul3A_0, %arg0 : i32
    %broadcast_in_dim3A = arith.constant 0.000000e+00 : f32
    %broadcast_in_dim3A_1 = vector.broadcast %broadcast_in_dim3A : f32 to vector<16xf32>
    %broadcast_in_dim3A_2 = arith.constant 1.000000e+00 : f32
    %broadcast_in_dim3A_3 = vector.broadcast %broadcast_in_dim3A_2 : f32 to vector<16xf32>
    %iota3A = tpu.iota {dimensions = array<i32: 0>} : vector<16xi32>
    "tpu.trace_start"() <{level = 10 : i32, message = "stage"}> : () -> ()
    "tpu.region"() ({
      %run_scoped3A = tpu.sem_alloc : memref<!tpu.dma_semaphore, #tpu.memory_space<semaphore_mem>>
      %dma_start3A_277 = arith.constant 0 : i32
      %dma_start3A_278 = tpu.memref_slice %arg5[%dma_start3A_277] : memref<1280xi32, #tpu.memory_space<vmem>> -> memref<640xi32, #tpu.memory_space<vmem>>
      %dma_start3A_279 = arith.constant 0 : i32
      %dma_start3A_280 = tpu.memref_slice %arg3[%add3A, %dma_start3A_279] : memref<32x1280xi32, #tpu.memory_space<hbm>> -> memref<1x640xi32, #tpu.memory_space<hbm>>
      %dma_start3A_281 = tpu.memref_squeeze %dma_start3A_280 : memref<1x640xi32, #tpu.memory_space<hbm>> -> memref<640xi32, #tpu.memory_space<hbm>>
      %dma_start3A_282 = arith.constant 0 : i32
      %dma_start3A_283 = tpu.memref_slice %arg5[%dma_start3A_282] : memref<1280xi32, #tpu.memory_space<vmem>> -> memref<640xi32, #tpu.memory_space<vmem>>
      %dma_start3A_284 = arith.constant 0 : i32
      %dma_start3A_285 = tpu.memref_slice %arg3[%add3A, %dma_start3A_284] : memref<32x1280xi32, #tpu.memory_space<hbm>> -> memref<1x640xi32, #tpu.memory_space<hbm>>
      %dma_start3A_286 = tpu.memref_squeeze %dma_start3A_285 : memref<1x640xi32, #tpu.memory_space<hbm>> -> memref<640xi32, #tpu.memory_space<hbm>>
      tpu.enqueue_dma source(%dma_start3A_286 : memref<640xi32, #tpu.memory_space<hbm>>) target(%dma_start3A_283 : memref<640xi32, #tpu.memory_space<vmem>>) target_semaphore(%run_scoped3A : memref<!tpu.dma_semaphore, #tpu.memory_space<semaphore_mem>>)
      %dma_wait3A_287 = arith.constant 0 : i32
      %dma_wait3A_288 = tpu.memref_slice %arg5[%dma_wait3A_287] : memref<1280xi32, #tpu.memory_space<vmem>> -> memref<640xi32, #tpu.memory_space<vmem>>
      %dma_wait3A_289 = arith.constant 0 : i32
      %dma_wait3A_290 = tpu.memref_slice %arg3[%add3A, %dma_wait3A_289] : memref<32x1280xi32, #tpu.memory_space<hbm>> -> memref<1x640xi32, #tpu.memory_space<hbm>>
      %dma_wait3A_291 = tpu.memref_squeeze %dma_wait3A_290 : memref<1x640xi32, #tpu.memory_space<hbm>> -> memref<640xi32, #tpu.memory_space<hbm>>
      %dma_wait3A_292 = arith.constant 0 : i32
      %dma_wait3A_293 = tpu.memref_slice %arg5[%dma_wait3A_292] : memref<1280xi32, #tpu.memory_space<vmem>> -> memref<640xi32, #tpu.memory_space<vmem>>
      %dma_wait3A_294 = arith.constant 0 : i32
      %dma_wait3A_295 = tpu.memref_slice %arg3[%add3A, %dma_wait3A_294] : memref<32x1280xi32, #tpu.memory_space<hbm>> -> memref<1x640xi32, #tpu.memory_space<hbm>>
      %dma_wait3A_296 = tpu.memref_squeeze %dma_wait3A_295 : memref<1x640xi32, #tpu.memory_space<hbm>> -> memref<640xi32, #tpu.memory_space<hbm>>
      tpu.wait_dma2 semaphore(%run_scoped3A : memref<!tpu.dma_semaphore, #tpu.memory_space<semaphore_mem>>) src(%dma_wait3A_296 : memref<640xi32, #tpu.memory_space<hbm>>) dst(%dma_wait3A_293 : memref<640xi32, #tpu.memory_space<vmem>>)
      tpu.yield
    }) : () -> ()
    "tpu.trace_stop"() : () -> ()
    "tpu.trace_start"() <{level = 10 : i32, message = "fire"}> : () -> ()
    %dma_start3A = arith.constant 0 : i32
    %dma_start3A_4 = tpu.memref_slice %arg6[%dma_start3A] : memref<640xf32, #tpu.memory_space<vmem>> -> memref<40xf32, #tpu.memory_space<vmem>>
    %dma_start3A_5 = arith.constant 0 : i32
    %dma_start3A_6 = tpu.memref_slice %arg5[%dma_start3A_5] : memref<1280xi32, #tpu.memory_space<vmem>> -> memref<40xi32, #tpu.memory_space<vmem>>
    %dma_start3A_7 = arith.constant 0 : i32
    %dma_start3A_8 = tpu.memref_slice %arg2[%dma_start3A_7] : memref<8912896xf32, #tpu.memory_space<hbm>> -> memref<8912896xf32, #tpu.memory_space<hbm>>
    tpu.enqueue_indirect_dma source(%dma_start3A_8 : memref<8912896xf32, #tpu.memory_space<hbm>>) target(%dma_start3A_4 : memref<40xf32, #tpu.memory_space<vmem>>) offsets(%dma_start3A_6 : memref<40xi32, #tpu.memory_space<vmem>>) semaphore(%arg8 : memref<!tpu.dma_semaphore, #tpu.memory_space<semaphore_mem>>)
    %dma_start3A_9 = arith.constant 40 : i32
    %dma_start3A_10 = tpu.memref_slice %arg6[%dma_start3A_9] : memref<640xf32, #tpu.memory_space<vmem>> -> memref<40xf32, #tpu.memory_space<vmem>>
    %dma_start3A_11 = arith.constant 40 : i32
    %dma_start3A_12 = tpu.memref_slice %arg5[%dma_start3A_11] : memref<1280xi32, #tpu.memory_space<vmem>> -> memref<40xi32, #tpu.memory_space<vmem>>
    %dma_start3A_13 = arith.constant 0 : i32
    %dma_start3A_14 = tpu.memref_slice %arg2[%dma_start3A_13] : memref<8912896xf32, #tpu.memory_space<hbm>> -> memref<8912896xf32, #tpu.memory_space<hbm>>
    tpu.enqueue_indirect_dma source(%dma_start3A_14 : memref<8912896xf32, #tpu.memory_space<hbm>>) target(%dma_start3A_10 : memref<40xf32, #tpu.memory_space<vmem>>) offsets(%dma_start3A_12 : memref<40xi32, #tpu.memory_space<vmem>>) semaphore(%arg8 : memref<!tpu.dma_semaphore, #tpu.memory_space<semaphore_mem>>)
    %dma_start3A_15 = arith.constant 80 : i32
    %dma_start3A_16 = tpu.memref_slice %arg6[%dma_start3A_15] : memref<640xf32, #tpu.memory_space<vmem>> -> memref<40xf32, #tpu.memory_space<vmem>>
    %dma_start3A_17 = arith.constant 80 : i32
    %dma_start3A_18 = tpu.memref_slice %arg5[%dma_start3A_17] : memref<1280xi32, #tpu.memory_space<vmem>> -> memref<40xi32, #tpu.memory_space<vmem>>
    %dma_start3A_19 = arith.constant 0 : i32
    %dma_start3A_20 = tpu.memref_slice %arg2[%dma_start3A_19] : memref<8912896xf32, #tpu.memory_space<hbm>> -> memref<8912896xf32, #tpu.memory_space<hbm>>
    tpu.enqueue_indirect_dma source(%dma_start3A_20 : memref<8912896xf32, #tpu.memory_space<hbm>>) target(%dma_start3A_16 : memref<40xf32, #tpu.memory_space<vmem>>) offsets(%dma_start3A_18 : memref<40xi32, #tpu.memory_space<vmem>>) semaphore(%arg8 : memref<!tpu.dma_semaphore, #tpu.memory_space<semaphore_mem>>)
    %dma_start3A_21 = arith.constant 120 : i32
    %dma_start3A_22 = tpu.memref_slice %arg6[%dma_start3A_21] : memref<640xf32, #tpu.memory_space<vmem>> -> memref<40xf32, #tpu.memory_space<vmem>>
    %dma_start3A_23 = arith.constant 120 : i32
    %dma_start3A_24 = tpu.memref_slice %arg5[%dma_start3A_23] : memref<1280xi32, #tpu.memory_space<vmem>> -> memref<40xi32, #tpu.memory_space<vmem>>
    %dma_start3A_25 = arith.constant 0 : i32
    %dma_start3A_26 = tpu.memref_slice %arg2[%dma_start3A_25] : memref<8912896xf32, #tpu.memory_space<hbm>> -> memref<8912896xf32, #tpu.memory_space<hbm>>
    tpu.enqueue_indirect_dma source(%dma_start3A_26 : memref<8912896xf32, #tpu.memory_space<hbm>>) target(%dma_start3A_22 : memref<40xf32, #tpu.memory_space<vmem>>) offsets(%dma_start3A_24 : memref<40xi32, #tpu.memory_space<vmem>>) semaphore(%arg8 : memref<!tpu.dma_semaphore, #tpu.memory_space<semaphore_mem>>)
    %dma_start3A_27 = arith.constant 160 : i32
    %dma_start3A_28 = tpu.memref_slice %arg6[%dma_start3A_27] : memref<640xf32, #tpu.memory_space<vmem>> -> memref<40xf32, #tpu.memory_space<vmem>>
    %dma_start3A_29 = arith.constant 160 : i32
    %dma_start3A_30 = tpu.memref_slice %arg5[%dma_start3A_29] : memref<1280xi32, #tpu.memory_space<vmem>> -> memref<40xi32, #tpu.memory_space<vmem>>
    %dma_start3A_31 = arith.constant 0 : i32
    %dma_start3A_32 = tpu.memref_slice %arg2[%dma_start3A_31] : memref<8912896xf32, #tpu.memory_space<hbm>> -> memref<8912896xf32, #tpu.memory_space<hbm>>
    tpu.enqueue_indirect_dma source(%dma_start3A_32 : memref<8912896xf32, #tpu.memory_space<hbm>>) target(%dma_start3A_28 : memref<40xf32, #tpu.memory_space<vmem>>) offsets(%dma_start3A_30 : memref<40xi32, #tpu.memory_space<vmem>>) semaphore(%arg8 : memref<!tpu.dma_semaphore, #tpu.memory_space<semaphore_mem>>)
    %dma_start3A_33 = arith.constant 200 : i32
    %dma_start3A_34 = tpu.memref_slice %arg6[%dma_start3A_33] : memref<640xf32, #tpu.memory_space<vmem>> -> memref<40xf32, #tpu.memory_space<vmem>>
    %dma_start3A_35 = arith.constant 200 : i32
    %dma_start3A_36 = tpu.memref_slice %arg5[%dma_start3A_35] : memref<1280xi32, #tpu.memory_space<vmem>> -> memref<40xi32, #tpu.memory_space<vmem>>
    %dma_start3A_37 = arith.constant 0 : i32
    %dma_start3A_38 = tpu.memref_slice %arg2[%dma_start3A_37] : memref<8912896xf32, #tpu.memory_space<hbm>> -> memref<8912896xf32, #tpu.memory_space<hbm>>
    tpu.enqueue_indirect_dma source(%dma_start3A_38 : memref<8912896xf32, #tpu.memory_space<hbm>>) target(%dma_start3A_34 : memref<40xf32, #tpu.memory_space<vmem>>) offsets(%dma_start3A_36 : memref<40xi32, #tpu.memory_space<vmem>>) semaphore(%arg8 : memref<!tpu.dma_semaphore, #tpu.memory_space<semaphore_mem>>)
    %dma_start3A_39 = arith.constant 240 : i32
    %dma_start3A_40 = tpu.memref_slice %arg6[%dma_start3A_39] : memref<640xf32, #tpu.memory_space<vmem>> -> memref<40xf32, #tpu.memory_space<vmem>>
    %dma_start3A_41 = arith.constant 240 : i32
    %dma_start3A_42 = tpu.memref_slice %arg5[%dma_start3A_41] : memref<1280xi32, #tpu.memory_space<vmem>> -> memref<40xi32, #tpu.memory_space<vmem>>
    %dma_start3A_43 = arith.constant 0 : i32
    %dma_start3A_44 = tpu.memref_slice %arg2[%dma_start3A_43] : memref<8912896xf32, #tpu.memory_space<hbm>> -> memref<8912896xf32, #tpu.memory_space<hbm>>
    tpu.enqueue_indirect_dma source(%dma_start3A_44 : memref<8912896xf32, #tpu.memory_space<hbm>>) target(%dma_start3A_40 : memref<40xf32, #tpu.memory_space<vmem>>) offsets(%dma_start3A_42 : memref<40xi32, #tpu.memory_space<vmem>>) semaphore(%arg8 : memref<!tpu.dma_semaphore, #tpu.memory_space<semaphore_mem>>)
    %dma_start3A_45 = arith.constant 280 : i32
    %dma_start3A_46 = tpu.memref_slice %arg6[%dma_start3A_45] : memref<640xf32, #tpu.memory_space<vmem>> -> memref<40xf32, #tpu.memory_space<vmem>>
    %dma_start3A_47 = arith.constant 280 : i32
    %dma_start3A_48 = tpu.memref_slice %arg5[%dma_start3A_47] : memref<1280xi32, #tpu.memory_space<vmem>> -> memref<40xi32, #tpu.memory_space<vmem>>
    %dma_start3A_49 = arith.constant 0 : i32
    %dma_start3A_50 = tpu.memref_slice %arg2[%dma_start3A_49] : memref<8912896xf32, #tpu.memory_space<hbm>> -> memref<8912896xf32, #tpu.memory_space<hbm>>
    tpu.enqueue_indirect_dma source(%dma_start3A_50 : memref<8912896xf32, #tpu.memory_space<hbm>>) target(%dma_start3A_46 : memref<40xf32, #tpu.memory_space<vmem>>) offsets(%dma_start3A_48 : memref<40xi32, #tpu.memory_space<vmem>>) semaphore(%arg8 : memref<!tpu.dma_semaphore, #tpu.memory_space<semaphore_mem>>)
    %dma_start3A_51 = arith.constant 320 : i32
    %dma_start3A_52 = tpu.memref_slice %arg6[%dma_start3A_51] : memref<640xf32, #tpu.memory_space<vmem>> -> memref<40xf32, #tpu.memory_space<vmem>>
    %dma_start3A_53 = arith.constant 320 : i32
    %dma_start3A_54 = tpu.memref_slice %arg5[%dma_start3A_53] : memref<1280xi32, #tpu.memory_space<vmem>> -> memref<40xi32, #tpu.memory_space<vmem>>
    %dma_start3A_55 = arith.constant 0 : i32
    %dma_start3A_56 = tpu.memref_slice %arg2[%dma_start3A_55] : memref<8912896xf32, #tpu.memory_space<hbm>> -> memref<8912896xf32, #tpu.memory_space<hbm>>
    tpu.enqueue_indirect_dma source(%dma_start3A_56 : memref<8912896xf32, #tpu.memory_space<hbm>>) target(%dma_start3A_52 : memref<40xf32, #tpu.memory_space<vmem>>) offsets(%dma_start3A_54 : memref<40xi32, #tpu.memory_space<vmem>>) semaphore(%arg8 : memref<!tpu.dma_semaphore, #tpu.memory_space<semaphore_mem>>)
    %dma_start3A_57 = arith.constant 360 : i32
    %dma_start3A_58 = tpu.memref_slice %arg6[%dma_start3A_57] : memref<640xf32, #tpu.memory_space<vmem>> -> memref<40xf32, #tpu.memory_space<vmem>>
    %dma_start3A_59 = arith.constant 360 : i32
    %dma_start3A_60 = tpu.memref_slice %arg5[%dma_start3A_59] : memref<1280xi32, #tpu.memory_space<vmem>> -> memref<40xi32, #tpu.memory_space<vmem>>
    %dma_start3A_61 = arith.constant 0 : i32
    %dma_start3A_62 = tpu.memref_slice %arg2[%dma_start3A_61] : memref<8912896xf32, #tpu.memory_space<hbm>> -> memref<8912896xf32, #tpu.memory_space<hbm>>
    tpu.enqueue_indirect_dma source(%dma_start3A_62 : memref<8912896xf32, #tpu.memory_space<hbm>>) target(%dma_start3A_58 : memref<40xf32, #tpu.memory_space<vmem>>) offsets(%dma_start3A_60 : memref<40xi32, #tpu.memory_space<vmem>>) semaphore(%arg8 : memref<!tpu.dma_semaphore, #tpu.memory_space<semaphore_mem>>)
    %dma_start3A_63 = arith.constant 400 : i32
    %dma_start3A_64 = tpu.memref_slice %arg6[%dma_start3A_63] : memref<640xf32, #tpu.memory_space<vmem>> -> memref<40xf32, #tpu.memory_space<vmem>>
    %dma_start3A_65 = arith.constant 400 : i32
    %dma_start3A_66 = tpu.memref_slice %arg5[%dma_start3A_65] : memref<1280xi32, #tpu.memory_space<vmem>> -> memref<40xi32, #tpu.memory_space<vmem>>
    %dma_start3A_67 = arith.constant 0 : i32
    %dma_start3A_68 = tpu.memref_slice %arg2[%dma_start3A_67] : memref<8912896xf32, #tpu.memory_space<hbm>> -> memref<8912896xf32, #tpu.memory_space<hbm>>
    tpu.enqueue_indirect_dma source(%dma_start3A_68 : memref<8912896xf32, #tpu.memory_space<hbm>>) target(%dma_start3A_64 : memref<40xf32, #tpu.memory_space<vmem>>) offsets(%dma_start3A_66 : memref<40xi32, #tpu.memory_space<vmem>>) semaphore(%arg8 : memref<!tpu.dma_semaphore, #tpu.memory_space<semaphore_mem>>)
    %dma_start3A_69 = arith.constant 440 : i32
    %dma_start3A_70 = tpu.memref_slice %arg6[%dma_start3A_69] : memref<640xf32, #tpu.memory_space<vmem>> -> memref<40xf32, #tpu.memory_space<vmem>>
    %dma_start3A_71 = arith.constant 440 : i32
    %dma_start3A_72 = tpu.memref_slice %arg5[%dma_start3A_71] : memref<1280xi32, #tpu.memory_space<vmem>> -> memref<40xi32, #tpu.memory_space<vmem>>
    %dma_start3A_73 = arith.constant 0 : i32
    %dma_start3A_74 = tpu.memref_slice %arg2[%dma_start3A_73] : memref<8912896xf32, #tpu.memory_space<hbm>> -> memref<8912896xf32, #tpu.memory_space<hbm>>
    tpu.enqueue_indirect_dma source(%dma_start3A_74 : memref<8912896xf32, #tpu.memory_space<hbm>>) target(%dma_start3A_70 : memref<40xf32, #tpu.memory_space<vmem>>) offsets(%dma_start3A_72 : memref<40xi32, #tpu.memory_space<vmem>>) semaphore(%arg8 : memref<!tpu.dma_semaphore, #tpu.memory_space<semaphore_mem>>)
    %dma_start3A_75 = arith.constant 480 : i32
    %dma_start3A_76 = tpu.memref_slice %arg6[%dma_start3A_75] : memref<640xf32, #tpu.memory_space<vmem>> -> memref<40xf32, #tpu.memory_space<vmem>>
    %dma_start3A_77 = arith.constant 480 : i32
    %dma_start3A_78 = tpu.memref_slice %arg5[%dma_start3A_77] : memref<1280xi32, #tpu.memory_space<vmem>> -> memref<40xi32, #tpu.memory_space<vmem>>
    %dma_start3A_79 = arith.constant 0 : i32
    %dma_start3A_80 = tpu.memref_slice %arg2[%dma_start3A_79] : memref<8912896xf32, #tpu.memory_space<hbm>> -> memref<8912896xf32, #tpu.memory_space<hbm>>
    tpu.enqueue_indirect_dma source(%dma_start3A_80 : memref<8912896xf32, #tpu.memory_space<hbm>>) target(%dma_start3A_76 : memref<40xf32, #tpu.memory_space<vmem>>) offsets(%dma_start3A_78 : memref<40xi32, #tpu.memory_space<vmem>>) semaphore(%arg8 : memref<!tpu.dma_semaphore, #tpu.memory_space<semaphore_mem>>)
    %dma_start3A_81 = arith.constant 520 : i32
    %dma_start3A_82 = tpu.memref_slice %arg6[%dma_start3A_81] : memref<640xf32, #tpu.memory_space<vmem>> -> memref<40xf32, #tpu.memory_space<vmem>>
    %dma_start3A_83 = arith.constant 520 : i32
    %dma_start3A_84 = tpu.memref_slice %arg5[%dma_start3A_83] : memref<1280xi32, #tpu.memory_space<vmem>> -> memref<40xi32, #tpu.memory_space<vmem>>
    %dma_start3A_85 = arith.constant 0 : i32
    %dma_start3A_86 = tpu.memref_slice %arg2[%dma_start3A_85] : memref<8912896xf32, #tpu.memory_space<hbm>> -> memref<8912896xf32, #tpu.memory_space<hbm>>
    tpu.enqueue_indirect_dma source(%dma_start3A_86 : memref<8912896xf32, #tpu.memory_space<hbm>>) target(%dma_start3A_82 : memref<40xf32, #tpu.memory_space<vmem>>) offsets(%dma_start3A_84 : memref<40xi32, #tpu.memory_space<vmem>>) semaphore(%arg8 : memref<!tpu.dma_semaphore, #tpu.memory_space<semaphore_mem>>)
    %dma_start3A_87 = arith.constant 560 : i32
    %dma_start3A_88 = tpu.memref_slice %arg6[%dma_start3A_87] : memref<640xf32, #tpu.memory_space<vmem>> -> memref<40xf32, #tpu.memory_space<vmem>>
    %dma_start3A_89 = arith.constant 560 : i32
    %dma_start3A_90 = tpu.memref_slice %arg5[%dma_start3A_89] : memref<1280xi32, #tpu.memory_space<vmem>> -> memref<40xi32, #tpu.memory_space<vmem>>
    %dma_start3A_91 = arith.constant 0 : i32
    %dma_start3A_92 = tpu.memref_slice %arg2[%dma_start3A_91] : memref<8912896xf32, #tpu.memory_space<hbm>> -> memref<8912896xf32, #tpu.memory_space<hbm>>
    tpu.enqueue_indirect_dma source(%dma_start3A_92 : memref<8912896xf32, #tpu.memory_space<hbm>>) target(%dma_start3A_88 : memref<40xf32, #tpu.memory_space<vmem>>) offsets(%dma_start3A_90 : memref<40xi32, #tpu.memory_space<vmem>>) semaphore(%arg8 : memref<!tpu.dma_semaphore, #tpu.memory_space<semaphore_mem>>)
    %dma_start3A_93 = arith.constant 600 : i32
    %dma_start3A_94 = tpu.memref_slice %arg6[%dma_start3A_93] : memref<640xf32, #tpu.memory_space<vmem>> -> memref<40xf32, #tpu.memory_space<vmem>>
    %dma_start3A_95 = arith.constant 600 : i32
    %dma_start3A_96 = tpu.memref_slice %arg5[%dma_start3A_95] : memref<1280xi32, #tpu.memory_space<vmem>> -> memref<40xi32, #tpu.memory_space<vmem>>
    %dma_start3A_97 = arith.constant 0 : i32
    %dma_start3A_98 = tpu.memref_slice %arg2[%dma_start3A_97] : memref<8912896xf32, #tpu.memory_space<hbm>> -> memref<8912896xf32, #tpu.memory_space<hbm>>
    tpu.enqueue_indirect_dma source(%dma_start3A_98 : memref<8912896xf32, #tpu.memory_space<hbm>>) target(%dma_start3A_94 : memref<40xf32, #tpu.memory_space<vmem>>) offsets(%dma_start3A_96 : memref<40xi32, #tpu.memory_space<vmem>>) semaphore(%arg8 : memref<!tpu.dma_semaphore, #tpu.memory_space<semaphore_mem>>)
    "tpu.trace_stop"() : () -> ()
    "tpu.trace_start"() <{level = 10 : i32, message = "stage2"}> : () -> ()
    "tpu.region"() ({
      %run_scoped3A = tpu.sem_alloc : memref<!tpu.dma_semaphore, #tpu.memory_space<semaphore_mem>>
      %dma_start3A_277 = arith.constant 640 : i32
      %dma_start3A_278 = tpu.memref_slice %arg5[%dma_start3A_277] : memref<1280xi32, #tpu.memory_space<vmem>> -> memref<640xi32, #tpu.memory_space<vmem>>
      %dma_start3A_279 = arith.constant 640 : i32
      %dma_start3A_280 = tpu.memref_slice %arg3[%add3A, %dma_start3A_279] : memref<32x1280xi32, #tpu.memory_space<hbm>> -> memref<1x640xi32, #tpu.memory_space<hbm>>
      %dma_start3A_281 = tpu.memref_squeeze %dma_start3A_280 : memref<1x640xi32, #tpu.memory_space<hbm>> -> memref<640xi32, #tpu.memory_space<hbm>>
      %dma_start3A_282 = arith.constant 640 : i32
      %dma_start3A_283 = tpu.memref_slice %arg5[%dma_start3A_282] : memref<1280xi32, #tpu.memory_space<vmem>> -> memref<640xi32, #tpu.memory_space<vmem>>
      %dma_start3A_284 = arith.constant 640 : i32
      %dma_start3A_285 = tpu.memref_slice %arg3[%add3A, %dma_start3A_284] : memref<32x1280xi32, #tpu.memory_space<hbm>> -> memref<1x640xi32, #tpu.memory_space<hbm>>
      %dma_start3A_286 = tpu.memref_squeeze %dma_start3A_285 : memref<1x640xi32, #tpu.memory_space<hbm>> -> memref<640xi32, #tpu.memory_space<hbm>>
      tpu.enqueue_dma source(%dma_start3A_286 : memref<640xi32, #tpu.memory_space<hbm>>) target(%dma_start3A_283 : memref<640xi32, #tpu.memory_space<vmem>>) target_semaphore(%run_scoped3A : memref<!tpu.dma_semaphore, #tpu.memory_space<semaphore_mem>>)
      %dma_wait3A_287 = arith.constant 640 : i32
      %dma_wait3A_288 = tpu.memref_slice %arg5[%dma_wait3A_287] : memref<1280xi32, #tpu.memory_space<vmem>> -> memref<640xi32, #tpu.memory_space<vmem>>
      %dma_wait3A_289 = arith.constant 640 : i32
      %dma_wait3A_290 = tpu.memref_slice %arg3[%add3A, %dma_wait3A_289] : memref<32x1280xi32, #tpu.memory_space<hbm>> -> memref<1x640xi32, #tpu.memory_space<hbm>>
      %dma_wait3A_291 = tpu.memref_squeeze %dma_wait3A_290 : memref<1x640xi32, #tpu.memory_space<hbm>> -> memref<640xi32, #tpu.memory_space<hbm>>
      %dma_wait3A_292 = arith.constant 640 : i32
      %dma_wait3A_293 = tpu.memref_slice %arg5[%dma_wait3A_292] : memref<1280xi32, #tpu.memory_space<vmem>> -> memref<640xi32, #tpu.memory_space<vmem>>
      %dma_wait3A_294 = arith.constant 640 : i32
      %dma_wait3A_295 = tpu.memref_slice %arg3[%add3A, %dma_wait3A_294] : memref<32x1280xi32, #tpu.memory_space<hbm>> -> memref<1x640xi32, #tpu.memory_space<hbm>>
      %dma_wait3A_296 = tpu.memref_squeeze %dma_wait3A_295 : memref<1x640xi32, #tpu.memory_space<hbm>> -> memref<640xi32, #tpu.memory_space<hbm>>
      tpu.wait_dma2 semaphore(%run_scoped3A : memref<!tpu.dma_semaphore, #tpu.memory_space<semaphore_mem>>) src(%dma_wait3A_296 : memref<640xi32, #tpu.memory_space<hbm>>) dst(%dma_wait3A_293 : memref<640xi32, #tpu.memory_space<vmem>>)
      tpu.yield
    }) : () -> ()
    "tpu.trace_stop"() : () -> ()
    "tpu.trace_start"() <{level = 10 : i32, message = "drain"}> : () -> ()
    %dma_wait3A = arith.constant 0 : i32
    %dma_wait3A_99 = tpu.memref_slice %arg6[%dma_wait3A] : memref<640xf32, #tpu.memory_space<vmem>> -> memref<40xf32, #tpu.memory_space<vmem>>
    %dma_wait3A_100 = arith.constant 0 : i32
    %dma_wait3A_101 = tpu.memref_slice %arg5[%dma_wait3A_100] : memref<1280xi32, #tpu.memory_space<vmem>> -> memref<40xi32, #tpu.memory_space<vmem>>
    %dma_wait3A_102 = arith.constant 0 : i32
    %dma_wait3A_103 = tpu.memref_slice %arg2[%dma_wait3A_102] : memref<8912896xf32, #tpu.memory_space<hbm>> -> memref<8912896xf32, #tpu.memory_space<hbm>>
    tpu.wait_indirect_dma semaphore(%arg8 : memref<!tpu.dma_semaphore, #tpu.memory_space<semaphore_mem>>) src(%dma_wait3A_103 : memref<8912896xf32, #tpu.memory_space<hbm>>) dst(%dma_wait3A_99 : memref<40xf32, #tpu.memory_space<vmem>>)
    %dma_wait3A_104 = arith.constant 40 : i32
    %dma_wait3A_105 = tpu.memref_slice %arg6[%dma_wait3A_104] : memref<640xf32, #tpu.memory_space<vmem>> -> memref<40xf32, #tpu.memory_space<vmem>>
    %dma_wait3A_106 = arith.constant 40 : i32
    %dma_wait3A_107 = tpu.memref_slice %arg5[%dma_wait3A_106] : memref<1280xi32, #tpu.memory_space<vmem>> -> memref<40xi32, #tpu.memory_space<vmem>>
    %dma_wait3A_108 = arith.constant 0 : i32
    %dma_wait3A_109 = tpu.memref_slice %arg2[%dma_wait3A_108] : memref<8912896xf32, #tpu.memory_space<hbm>> -> memref<8912896xf32, #tpu.memory_space<hbm>>
    tpu.wait_indirect_dma semaphore(%arg8 : memref<!tpu.dma_semaphore, #tpu.memory_space<semaphore_mem>>) src(%dma_wait3A_109 : memref<8912896xf32, #tpu.memory_space<hbm>>) dst(%dma_wait3A_105 : memref<40xf32, #tpu.memory_space<vmem>>)
    %dma_wait3A_110 = arith.constant 80 : i32
    %dma_wait3A_111 = tpu.memref_slice %arg6[%dma_wait3A_110] : memref<640xf32, #tpu.memory_space<vmem>> -> memref<40xf32, #tpu.memory_space<vmem>>
    %dma_wait3A_112 = arith.constant 80 : i32
    %dma_wait3A_113 = tpu.memref_slice %arg5[%dma_wait3A_112] : memref<1280xi32, #tpu.memory_space<vmem>> -> memref<40xi32, #tpu.memory_space<vmem>>
    %dma_wait3A_114 = arith.constant 0 : i32
    %dma_wait3A_115 = tpu.memref_slice %arg2[%dma_wait3A_114] : memref<8912896xf32, #tpu.memory_space<hbm>> -> memref<8912896xf32, #tpu.memory_space<hbm>>
    tpu.wait_indirect_dma semaphore(%arg8 : memref<!tpu.dma_semaphore, #tpu.memory_space<semaphore_mem>>) src(%dma_wait3A_115 : memref<8912896xf32, #tpu.memory_space<hbm>>) dst(%dma_wait3A_111 : memref<40xf32, #tpu.memory_space<vmem>>)
    %dma_wait3A_116 = arith.constant 120 : i32
    %dma_wait3A_117 = tpu.memref_slice %arg6[%dma_wait3A_116] : memref<640xf32, #tpu.memory_space<vmem>> -> memref<40xf32, #tpu.memory_space<vmem>>
    %dma_wait3A_118 = arith.constant 120 : i32
    %dma_wait3A_119 = tpu.memref_slice %arg5[%dma_wait3A_118] : memref<1280xi32, #tpu.memory_space<vmem>> -> memref<40xi32, #tpu.memory_space<vmem>>
    %dma_wait3A_120 = arith.constant 0 : i32
    %dma_wait3A_121 = tpu.memref_slice %arg2[%dma_wait3A_120] : memref<8912896xf32, #tpu.memory_space<hbm>> -> memref<8912896xf32, #tpu.memory_space<hbm>>
    tpu.wait_indirect_dma semaphore(%arg8 : memref<!tpu.dma_semaphore, #tpu.memory_space<semaphore_mem>>) src(%dma_wait3A_121 : memref<8912896xf32, #tpu.memory_space<hbm>>) dst(%dma_wait3A_117 : memref<40xf32, #tpu.memory_space<vmem>>)
    %dma_wait3A_122 = arith.constant 160 : i32
    %dma_wait3A_123 = tpu.memref_slice %arg6[%dma_wait3A_122] : memref<640xf32, #tpu.memory_space<vmem>> -> memref<40xf32, #tpu.memory_space<vmem>>
    %dma_wait3A_124 = arith.constant 160 : i32
    %dma_wait3A_125 = tpu.memref_slice %arg5[%dma_wait3A_124] : memref<1280xi32, #tpu.memory_space<vmem>> -> memref<40xi32, #tpu.memory_space<vmem>>
    %dma_wait3A_126 = arith.constant 0 : i32
    %dma_wait3A_127 = tpu.memref_slice %arg2[%dma_wait3A_126] : memref<8912896xf32, #tpu.memory_space<hbm>> -> memref<8912896xf32, #tpu.memory_space<hbm>>
    tpu.wait_indirect_dma semaphore(%arg8 : memref<!tpu.dma_semaphore, #tpu.memory_space<semaphore_mem>>) src(%dma_wait3A_127 : memref<8912896xf32, #tpu.memory_space<hbm>>) dst(%dma_wait3A_123 : memref<40xf32, #tpu.memory_space<vmem>>)
    %dma_wait3A_128 = arith.constant 200 : i32
    %dma_wait3A_129 = tpu.memref_slice %arg6[%dma_wait3A_128] : memref<640xf32, #tpu.memory_space<vmem>> -> memref<40xf32, #tpu.memory_space<vmem>>
    %dma_wait3A_130 = arith.constant 200 : i32
    %dma_wait3A_131 = tpu.memref_slice %arg5[%dma_wait3A_130] : memref<1280xi32, #tpu.memory_space<vmem>> -> memref<40xi32, #tpu.memory_space<vmem>>
    %dma_wait3A_132 = arith.constant 0 : i32
    %dma_wait3A_133 = tpu.memref_slice %arg2[%dma_wait3A_132] : memref<8912896xf32, #tpu.memory_space<hbm>> -> memref<8912896xf32, #tpu.memory_space<hbm>>
    tpu.wait_indirect_dma semaphore(%arg8 : memref<!tpu.dma_semaphore, #tpu.memory_space<semaphore_mem>>) src(%dma_wait3A_133 : memref<8912896xf32, #tpu.memory_space<hbm>>) dst(%dma_wait3A_129 : memref<40xf32, #tpu.memory_space<vmem>>)
    %dma_wait3A_134 = arith.constant 240 : i32
    %dma_wait3A_135 = tpu.memref_slice %arg6[%dma_wait3A_134] : memref<640xf32, #tpu.memory_space<vmem>> -> memref<40xf32, #tpu.memory_space<vmem>>
    %dma_wait3A_136 = arith.constant 240 : i32
    %dma_wait3A_137 = tpu.memref_slice %arg5[%dma_wait3A_136] : memref<1280xi32, #tpu.memory_space<vmem>> -> memref<40xi32, #tpu.memory_space<vmem>>
    %dma_wait3A_138 = arith.constant 0 : i32
    %dma_wait3A_139 = tpu.memref_slice %arg2[%dma_wait3A_138] : memref<8912896xf32, #tpu.memory_space<hbm>> -> memref<8912896xf32, #tpu.memory_space<hbm>>
    tpu.wait_indirect_dma semaphore(%arg8 : memref<!tpu.dma_semaphore, #tpu.memory_space<semaphore_mem>>) src(%dma_wait3A_139 : memref<8912896xf32, #tpu.memory_space<hbm>>) dst(%dma_wait3A_135 : memref<40xf32, #tpu.memory_space<vmem>>)
    %dma_wait3A_140 = arith.constant 280 : i32
    %dma_wait3A_141 = tpu.memref_slice %arg6[%dma_wait3A_140] : memref<640xf32, #tpu.memory_space<vmem>> -> memref<40xf32, #tpu.memory_space<vmem>>
    %dma_wait3A_142 = arith.constant 280 : i32
    %dma_wait3A_143 = tpu.memref_slice %arg5[%dma_wait3A_142] : memref<1280xi32, #tpu.memory_space<vmem>> -> memref<40xi32, #tpu.memory_space<vmem>>
    %dma_wait3A_144 = arith.constant 0 : i32
    %dma_wait3A_145 = tpu.memref_slice %arg2[%dma_wait3A_144] : memref<8912896xf32, #tpu.memory_space<hbm>> -> memref<8912896xf32, #tpu.memory_space<hbm>>
    tpu.wait_indirect_dma semaphore(%arg8 : memref<!tpu.dma_semaphore, #tpu.memory_space<semaphore_mem>>) src(%dma_wait3A_145 : memref<8912896xf32, #tpu.memory_space<hbm>>) dst(%dma_wait3A_141 : memref<40xf32, #tpu.memory_space<vmem>>)
    %dma_wait3A_146 = arith.constant 320 : i32
    %dma_wait3A_147 = tpu.memref_slice %arg6[%dma_wait3A_146] : memref<640xf32, #tpu.memory_space<vmem>> -> memref<40xf32, #tpu.memory_space<vmem>>
    %dma_wait3A_148 = arith.constant 320 : i32
    %dma_wait3A_149 = tpu.memref_slice %arg5[%dma_wait3A_148] : memref<1280xi32, #tpu.memory_space<vmem>> -> memref<40xi32, #tpu.memory_space<vmem>>
    %dma_wait3A_150 = arith.constant 0 : i32
    %dma_wait3A_151 = tpu.memref_slice %arg2[%dma_wait3A_150] : memref<8912896xf32, #tpu.memory_space<hbm>> -> memref<8912896xf32, #tpu.memory_space<hbm>>
    tpu.wait_indirect_dma semaphore(%arg8 : memref<!tpu.dma_semaphore, #tpu.memory_space<semaphore_mem>>) src(%dma_wait3A_151 : memref<8912896xf32, #tpu.memory_space<hbm>>) dst(%dma_wait3A_147 : memref<40xf32, #tpu.memory_space<vmem>>)
    %dma_wait3A_152 = arith.constant 360 : i32
    %dma_wait3A_153 = tpu.memref_slice %arg6[%dma_wait3A_152] : memref<640xf32, #tpu.memory_space<vmem>> -> memref<40xf32, #tpu.memory_space<vmem>>
    %dma_wait3A_154 = arith.constant 360 : i32
    %dma_wait3A_155 = tpu.memref_slice %arg5[%dma_wait3A_154] : memref<1280xi32, #tpu.memory_space<vmem>> -> memref<40xi32, #tpu.memory_space<vmem>>
    %dma_wait3A_156 = arith.constant 0 : i32
    %dma_wait3A_157 = tpu.memref_slice %arg2[%dma_wait3A_156] : memref<8912896xf32, #tpu.memory_space<hbm>> -> memref<8912896xf32, #tpu.memory_space<hbm>>
    tpu.wait_indirect_dma semaphore(%arg8 : memref<!tpu.dma_semaphore, #tpu.memory_space<semaphore_mem>>) src(%dma_wait3A_157 : memref<8912896xf32, #tpu.memory_space<hbm>>) dst(%dma_wait3A_153 : memref<40xf32, #tpu.memory_space<vmem>>)
    %dma_wait3A_158 = arith.constant 400 : i32
    %dma_wait3A_159 = tpu.memref_slice %arg6[%dma_wait3A_158] : memref<640xf32, #tpu.memory_space<vmem>> -> memref<40xf32, #tpu.memory_space<vmem>>
    %dma_wait3A_160 = arith.constant 400 : i32
    %dma_wait3A_161 = tpu.memref_slice %arg5[%dma_wait3A_160] : memref<1280xi32, #tpu.memory_space<vmem>> -> memref<40xi32, #tpu.memory_space<vmem>>
    %dma_wait3A_162 = arith.constant 0 : i32
    %dma_wait3A_163 = tpu.memref_slice %arg2[%dma_wait3A_162] : memref<8912896xf32, #tpu.memory_space<hbm>> -> memref<8912896xf32, #tpu.memory_space<hbm>>
    tpu.wait_indirect_dma semaphore(%arg8 : memref<!tpu.dma_semaphore, #tpu.memory_space<semaphore_mem>>) src(%dma_wait3A_163 : memref<8912896xf32, #tpu.memory_space<hbm>>) dst(%dma_wait3A_159 : memref<40xf32, #tpu.memory_space<vmem>>)
    %dma_wait3A_164 = arith.constant 440 : i32
    %dma_wait3A_165 = tpu.memref_slice %arg6[%dma_wait3A_164] : memref<640xf32, #tpu.memory_space<vmem>> -> memref<40xf32, #tpu.memory_space<vmem>>
    %dma_wait3A_166 = arith.constant 440 : i32
    %dma_wait3A_167 = tpu.memref_slice %arg5[%dma_wait3A_166] : memref<1280xi32, #tpu.memory_space<vmem>> -> memref<40xi32, #tpu.memory_space<vmem>>
    %dma_wait3A_168 = arith.constant 0 : i32
    %dma_wait3A_169 = tpu.memref_slice %arg2[%dma_wait3A_168] : memref<8912896xf32, #tpu.memory_space<hbm>> -> memref<8912896xf32, #tpu.memory_space<hbm>>
    tpu.wait_indirect_dma semaphore(%arg8 : memref<!tpu.dma_semaphore, #tpu.memory_space<semaphore_mem>>) src(%dma_wait3A_169 : memref<8912896xf32, #tpu.memory_space<hbm>>) dst(%dma_wait3A_165 : memref<40xf32, #tpu.memory_space<vmem>>)
    %dma_wait3A_170 = arith.constant 480 : i32
    %dma_wait3A_171 = tpu.memref_slice %arg6[%dma_wait3A_170] : memref<640xf32, #tpu.memory_space<vmem>> -> memref<40xf32, #tpu.memory_space<vmem>>
    %dma_wait3A_172 = arith.constant 480 : i32
    %dma_wait3A_173 = tpu.memref_slice %arg5[%dma_wait3A_172] : memref<1280xi32, #tpu.memory_space<vmem>> -> memref<40xi32, #tpu.memory_space<vmem>>
    %dma_wait3A_174 = arith.constant 0 : i32
    %dma_wait3A_175 = tpu.memref_slice %arg2[%dma_wait3A_174] : memref<8912896xf32, #tpu.memory_space<hbm>> -> memref<8912896xf32, #tpu.memory_space<hbm>>
    tpu.wait_indirect_dma semaphore(%arg8 : memref<!tpu.dma_semaphore, #tpu.memory_space<semaphore_mem>>) src(%dma_wait3A_175 : memref<8912896xf32, #tpu.memory_space<hbm>>) dst(%dma_wait3A_171 : memref<40xf32, #tpu.memory_space<vmem>>)
    %dma_wait3A_176 = arith.constant 520 : i32
    %dma_wait3A_177 = tpu.memref_slice %arg6[%dma_wait3A_176] : memref<640xf32, #tpu.memory_space<vmem>> -> memref<40xf32, #tpu.memory_space<vmem>>
    %dma_wait3A_178 = arith.constant 520 : i32
    %dma_wait3A_179 = tpu.memref_slice %arg5[%dma_wait3A_178] : memref<1280xi32, #tpu.memory_space<vmem>> -> memref<40xi32, #tpu.memory_space<vmem>>
    %dma_wait3A_180 = arith.constant 0 : i32
    %dma_wait3A_181 = tpu.memref_slice %arg2[%dma_wait3A_180] : memref<8912896xf32, #tpu.memory_space<hbm>> -> memref<8912896xf32, #tpu.memory_space<hbm>>
    tpu.wait_indirect_dma semaphore(%arg8 : memref<!tpu.dma_semaphore, #tpu.memory_space<semaphore_mem>>) src(%dma_wait3A_181 : memref<8912896xf32, #tpu.memory_space<hbm>>) dst(%dma_wait3A_177 : memref<40xf32, #tpu.memory_space<vmem>>)
    %dma_wait3A_182 = arith.constant 560 : i32
    %dma_wait3A_183 = tpu.memref_slice %arg6[%dma_wait3A_182] : memref<640xf32, #tpu.memory_space<vmem>> -> memref<40xf32, #tpu.memory_space<vmem>>
    %dma_wait3A_184 = arith.constant 560 : i32
    %dma_wait3A_185 = tpu.memref_slice %arg5[%dma_wait3A_184] : memref<1280xi32, #tpu.memory_space<vmem>> -> memref<40xi32, #tpu.memory_space<vmem>>
    %dma_wait3A_186 = arith.constant 0 : i32
    %dma_wait3A_187 = tpu.memref_slice %arg2[%dma_wait3A_186] : memref<8912896xf32, #tpu.memory_space<hbm>> -> memref<8912896xf32, #tpu.memory_space<hbm>>
    tpu.wait_indirect_dma semaphore(%arg8 : memref<!tpu.dma_semaphore, #tpu.memory_space<semaphore_mem>>) src(%dma_wait3A_187 : memref<8912896xf32, #tpu.memory_space<hbm>>) dst(%dma_wait3A_183 : memref<40xf32, #tpu.memory_space<vmem>>)
    %dma_wait3A_188 = arith.constant 600 : i32
    %dma_wait3A_189 = tpu.memref_slice %arg6[%dma_wait3A_188] : memref<640xf32, #tpu.memory_space<vmem>> -> memref<40xf32, #tpu.memory_space<vmem>>
    %dma_wait3A_190 = arith.constant 600 : i32
    %dma_wait3A_191 = tpu.memref_slice %arg5[%dma_wait3A_190] : memref<1280xi32, #tpu.memory_space<vmem>> -> memref<40xi32, #tpu.memory_space<vmem>>
    %dma_wait3A_192 = arith.constant 0 : i32
    %dma_wait3A_193 = tpu.memref_slice %arg2[%dma_wait3A_192] : memref<8912896xf32, #tpu.memory_space<hbm>> -> memref<8912896xf32, #tpu.memory_space<hbm>>
    tpu.wait_indirect_dma semaphore(%arg8 : memref<!tpu.dma_semaphore, #tpu.memory_space<semaphore_mem>>) src(%dma_wait3A_193 : memref<8912896xf32, #tpu.memory_space<hbm>>) dst(%dma_wait3A_189 : memref<40xf32, #tpu.memory_space<vmem>>)
    "tpu.trace_stop"() : () -> ()
    "tpu.trace_start"() <{level = 10 : i32, message = "passA"}> : () -> ()
    %scan3A = arith.constant 0 : i32
    %scan3A_194 = arith.constant 17 : i32
    %scan3A_195 = arith.addi %scan3A, %scan3A_194 : i32
    %scan3A_196 = arith.constant 1 : i32
    %scan3A_197:4 = scf.for %scan3A_277 = %scan3A to %scan3A_195 step %scan3A_196 iter_args(%scan3A_278 = %broadcast_in_dim3A_1, %scan3A_279 = %broadcast_in_dim3A_1, %scan3A_280 = %broadcast_in_dim3A_1, %scan3A_281 = %broadcast_in_dim3A_1) -> (vector<16xf32>, vector<16xf32>, vector<16xf32>, vector<16xf32>)  : i32 {
      %mul3A_282 = arith.constant 32 : i32
      %mul3A_283 = arith.muli %scan3A_277, %mul3A_282 : i32
      %add3A_284 = arith.constant 640 : i32
      %add3A_285 = arith.addi %add3A_284, %mul3A_283 : i32
      %get3A = arith.index_cast %add3A_285 : i32 to index
      %get3A_286 = tpu.vector_load %arg5[%get3A] {strides = array<i32>} : memref<1280xi32, #tpu.memory_space<vmem>>, vector<16xi32>,
      %add3A_287 = arith.constant 640 : i32
      %add3A_288 = arith.addi %add3A_287, %mul3A_283 : i32
      %add3A_289 = arith.constant 16 : i32
      %add3A_290 = arith.addi %add3A_288, %add3A_289 : i32
      %get3A_291 = arith.index_cast %add3A_290 : i32 to index
      %get3A_292 = tpu.vector_load %arg5[%get3A_291] {strides = array<i32>} : memref<1280xi32, #tpu.memory_space<vmem>>, vector<16xi32>,
      %get3A_293 = arith.index_cast %mul3A_283 : i32 to index
      %get3A_294 = tpu.vector_load %arg6[%get3A_293] {strides = array<i32>} : memref<640xf32, #tpu.memory_space<vmem>>, vector<16xf32>,
      %add3A_295 = arith.constant 16 : i32
      %add3A_296 = arith.addi %mul3A_283, %add3A_295 : i32
      %get3A_297 = arith.index_cast %add3A_296 : i32 to index
      %get3A_298 = tpu.vector_load %arg6[%get3A_297] {strides = array<i32>} : memref<640xf32, #tpu.memory_space<vmem>>, vector<16xf32>,
      %gt3A_299 = arith.constant 0 : i32
      %gt3A_300 = vector.broadcast %gt3A_299 : i32 to vector<16xi32>
      %gt3A_301 = arith.cmpi sgt, %get3A_286, %gt3A_300 : vector<16xi32>
      %select_n3A_302 = arith.select %gt3A_301, %broadcast_in_dim3A_3, %broadcast_in_dim3A_1 : vector<16xi1>, vector<16xf32>
      %gt3A_303 = arith.constant 0 : i32
      %gt3A_304 = vector.broadcast %gt3A_303 : i32 to vector<16xi32>
      %gt3A_305 = arith.cmpi sgt, %get3A_292, %gt3A_304 : vector<16xi32>
      %select_n3A_306 = arith.select %gt3A_305, %broadcast_in_dim3A_3, %broadcast_in_dim3A_1 : vector<16xi1>, vector<16xf32>
      %add3A_307 = arith.addf %scan3A_278, %select_n3A_302 : vector<16xf32>
      %add3A_308 = arith.addf %scan3A_279, %select_n3A_306 : vector<16xf32>
      %mul3A_309 = arith.mulf %get3A_294, %select_n3A_302 : vector<16xf32>
      %add3A_310 = arith.addf %scan3A_280, %mul3A_309 : vector<16xf32>
      %mul3A_311 = arith.mulf %get3A_298, %select_n3A_306 : vector<16xf32>
      %add3A_312 = arith.addf %scan3A_281, %mul3A_311 : vector<16xf32>
      scf.yield %add3A_307, %add3A_308, %add3A_310, %add3A_312 : vector<16xf32>, vector<16xf32>, vector<16xf32>, vector<16xf32>
    }
    %scan3A_198 = arith.constant 17 : i32
    %max3A = arith.maximumf %scan3A_197#0, %broadcast_in_dim3A_3 : vector<16xf32>
    %max3A_199 = arith.maximumf %scan3A_197#1, %broadcast_in_dim3A_3 : vector<16xf32>
    %div3A = arith.divf %scan3A_197#2, %max3A : vector<16xf32>
    %div3A_200 = arith.divf %scan3A_197#3, %max3A_199 : vector<16xf32>
    %gt3A = arith.constant 0.000000e+00 : f32
    %gt3A_201 = vector.broadcast %gt3A : f32 to vector<16xf32>
    %gt3A_202 = arith.cmpf ogt, %scan3A_197#0, %gt3A_201 : vector<16xf32>
    %select_n3A = arith.select %gt3A_202, %broadcast_in_dim3A_3, %broadcast_in_dim3A_1 : vector<16xi1>, vector<16xf32>
    %gt3A_203 = arith.constant 0.000000e+00 : f32
    %gt3A_204 = vector.broadcast %gt3A_203 : f32 to vector<16xf32>
    %gt3A_205 = arith.cmpf ogt, %scan3A_197#1, %gt3A_204 : vector<16xf32>
    %select_n3A_206 = arith.select %gt3A_205, %broadcast_in_dim3A_3, %broadcast_in_dim3A_1 : vector<16xi1>, vector<16xf32>
    "tpu.trace_stop"() : () -> ()
    "tpu.trace_start"() <{level = 10 : i32, message = "passB"}> : () -> ()
    %scan3A_207 = arith.constant 0 : i32
    %scan3A_208 = arith.constant 17 : i32
    %scan3A_209 = arith.addi %scan3A_207, %scan3A_208 : i32
    %scan3A_210 = arith.constant 1 : i32
    %scan3A_211:2 = scf.for %scan3A_277 = %scan3A_207 to %scan3A_209 step %scan3A_210 iter_args(%scan3A_278 = %broadcast_in_dim3A_1, %scan3A_279 = %broadcast_in_dim3A_1) -> (vector<16xf32>, vector<16xf32>)  : i32 {
      %mul3A_280 = arith.constant 32 : i32
      %mul3A_281 = arith.muli %scan3A_277, %mul3A_280 : i32
      %add3A_282 = arith.constant 640 : i32
      %add3A_283 = arith.addi %add3A_282, %mul3A_281 : i32
      %get3A = arith.index_cast %add3A_283 : i32 to index
      %get3A_284 = tpu.vector_load %arg5[%get3A] {strides = array<i32>} : memref<1280xi32, #tpu.memory_space<vmem>>, vector<16xi32>,
      %add3A_285 = arith.constant 640 : i32
      %add3A_286 = arith.addi %add3A_285, %mul3A_281 : i32
      %add3A_287 = arith.constant 16 : i32
      %add3A_288 = arith.addi %add3A_286, %add3A_287 : i32
      %get3A_289 = arith.index_cast %add3A_288 : i32 to index
      %get3A_290 = tpu.vector_load %arg5[%get3A_289] {strides = array<i32>} : memref<1280xi32, #tpu.memory_space<vmem>>, vector<16xi32>,
      %gt3A_291 = arith.constant 0 : i32
      %gt3A_292 = vector.broadcast %gt3A_291 : i32 to vector<16xi32>
      %gt3A_293 = arith.cmpi sgt, %get3A_284, %gt3A_292 : vector<16xi32>
      %select_n3A_294 = arith.select %gt3A_293, %broadcast_in_dim3A_3, %broadcast_in_dim3A_1 : vector<16xi1>, vector<16xf32>
      %gt3A_295 = arith.constant 0 : i32
      %gt3A_296 = vector.broadcast %gt3A_295 : i32 to vector<16xi32>
      %gt3A_297 = arith.cmpi sgt, %get3A_290, %gt3A_296 : vector<16xi32>
      %select_n3A_298 = arith.select %gt3A_297, %broadcast_in_dim3A_3, %broadcast_in_dim3A_1 : vector<16xi1>, vector<16xf32>
      %get3A_299 = arith.index_cast %mul3A_281 : i32 to index
      %get3A_300 = tpu.vector_load %arg6[%get3A_299] {strides = array<i32>} : memref<640xf32, #tpu.memory_space<vmem>>, vector<16xf32>,
      %sub3A_301 = arith.subf %get3A_300, %div3A : vector<16xf32>
      %add3A_302 = arith.constant 16 : i32
      %add3A_303 = arith.addi %mul3A_281, %add3A_302 : i32
      %get3A_304 = arith.index_cast %add3A_303 : i32 to index
      %get3A_305 = tpu.vector_load %arg6[%get3A_304] {strides = array<i32>} : memref<640xf32, #tpu.memory_space<vmem>>, vector<16xf32>,
      %sub3A_306 = arith.subf %get3A_305, %div3A_200 : vector<16xf32>
      %mul3A_307 = arith.mulf %sub3A_301, %sub3A_301 : vector<16xf32>
      %mul3A_308 = arith.mulf %mul3A_307, %select_n3A_294 : vector<16xf32>
      %add3A_309 = arith.addf %scan3A_278, %mul3A_308 : vector<16xf32>
      %mul3A_310 = arith.mulf %sub3A_306, %sub3A_306 : vector<16xf32>
      %mul3A_311 = arith.mulf %mul3A_310, %select_n3A_298 : vector<16xf32>
      %add3A_312 = arith.addf %scan3A_279, %mul3A_311 : vector<16xf32>
      scf.yield %add3A_309, %add3A_312 : vector<16xf32>, vector<16xf32>
    }
    %scan3A_212 = arith.constant 17 : i32
    %div3A_213 = arith.divf %scan3A_211#0, %max3A : vector<16xf32>
    %mul3A_214 = arith.mulf %div3A_213, %select_n3A : vector<16xf32>
    %reduce_sum3A = arith.constant true
    %reduce_sum3A_215 = vector.broadcast %reduce_sum3A : i1 to vector<16xi1>
    %reduce_sum3A_216 = tpu.scan <sum>, %mul3A_214 masked %reduce_sum3A_215 : vector<16xf32>, vector<16xi1> -> vector<16xf32>
    %reduce_sum3A_217 = vector.extract %reduce_sum3A_216[15] : f32 from vector<16xf32>
    %div3A_218 = arith.divf %scan3A_211#1, %max3A_199 : vector<16xf32>
    %mul3A_219 = arith.mulf %div3A_218, %select_n3A_206 : vector<16xf32>
    %reduce_sum3A_220 = arith.constant true
    %reduce_sum3A_221 = vector.broadcast %reduce_sum3A_220 : i1 to vector<16xi1>
    %reduce_sum3A_222 = tpu.scan <sum>, %mul3A_219 masked %reduce_sum3A_221 : vector<16xf32>, vector<16xi1> -> vector<16xf32>
    %reduce_sum3A_223 = vector.extract %reduce_sum3A_222[15] : f32 from vector<16xf32>
    %add3A_224 = arith.addf %reduce_sum3A_217, %reduce_sum3A_223 : f32
    %reduce_sum3A_225 = arith.constant true
    %reduce_sum3A_226 = vector.broadcast %reduce_sum3A_225 : i1 to vector<16xi1>
    %reduce_sum3A_227 = tpu.scan <sum>, %select_n3A masked %reduce_sum3A_226 : vector<16xf32>, vector<16xi1> -> vector<16xf32>
    %reduce_sum3A_228 = vector.extract %reduce_sum3A_227[15] : f32 from vector<16xf32>
    %reduce_sum3A_229 = arith.constant true
    %reduce_sum3A_230 = vector.broadcast %reduce_sum3A_229 : i1 to vector<16xi1>
    %reduce_sum3A_231 = tpu.scan <sum>, %select_n3A_206 masked %reduce_sum3A_230 : vector<16xf32>, vector<16xi1> -> vector<16xf32>
    %reduce_sum3A_232 = vector.extract %reduce_sum3A_231[15] : f32 from vector<16xf32>
    %add3A_233 = arith.addf %reduce_sum3A_228, %reduce_sum3A_232 : f32
    %broadcast_in_dim3A_234 = vector.broadcast %add3A_233 : f32 to vector<16xf32>
    "tpu.trace_stop"() : () -> ()
    "tpu.trace_start"() <{level = 10 : i32, message = "push"}> : () -> ()
    %scan3A_235 = arith.constant 0 : i32
    %scan3A_236 = arith.constant 16 : i32
    %scan3A_237 = arith.addi %scan3A_235, %scan3A_236 : i32
    %scan3A_238 = arith.constant 1 : i32
    %scan3A_239:2 = scf.for %scan3A_277 = %scan3A_235 to %scan3A_237 step %scan3A_238 iter_args(%scan3A_278 = %broadcast_in_dim3A_1, %scan3A_279 = %broadcast_in_dim3A_1) -> (vector<16xf32>, vector<16xf32>)  : i32 {
      %eq3A_280 = vector.broadcast %scan3A_277 : i32 to vector<16xi32>
      %eq3A_281 = arith.cmpi eq, %iota3A, %eq3A_280 : vector<16xi32>
      %select_n3A_282 = arith.select %eq3A_281, %div3A, %broadcast_in_dim3A_1 : vector<16xi1>, vector<16xf32>
      %reduce_sum3A_283 = arith.constant true
      %reduce_sum3A_284 = vector.broadcast %reduce_sum3A_283 : i1 to vector<16xi1>
      %reduce_sum3A_285 = tpu.scan <sum>, %select_n3A_282 masked %reduce_sum3A_284 : vector<16xf32>, vector<16xi1> -> vector<16xf32>
      %reduce_sum3A_286 = vector.extract %reduce_sum3A_285[15] : f32 from vector<16xf32>
      %broadcast_in_dim3A_287 = vector.broadcast %reduce_sum3A_286 : f32 to vector<16xf32>
      %select_n3A_288 = arith.select %eq3A_281, %select_n3A, %broadcast_in_dim3A_1 : vector<16xi1>, vector<16xf32>
      %reduce_sum3A_289 = arith.constant true
      %reduce_sum3A_290 = vector.broadcast %reduce_sum3A_289 : i1 to vector<16xi1>
      %reduce_sum3A_291 = tpu.scan <sum>, %select_n3A_288 masked %reduce_sum3A_290 : vector<16xf32>, vector<16xi1> -> vector<16xf32>
      %reduce_sum3A_292 = vector.extract %reduce_sum3A_291[15] : f32 from vector<16xf32>
      %broadcast_in_dim3A_293 = vector.broadcast %reduce_sum3A_292 : f32 to vector<16xf32>
      %sub3A_294 = arith.subf %broadcast_in_dim3A_287, %div3A : vector<16xf32>
      %sub3A_295 = arith.subf %broadcast_in_dim3A_287, %div3A_200 : vector<16xf32>
      %mul3A_296 = arith.mulf %sub3A_294, %sub3A_294 : vector<16xf32>
      %neg3A = arith.constant 0.000000e+00 : f32
      %neg3A_297 = vector.broadcast %neg3A : f32 to vector<16xf32>
      %neg3A_298 = arith.subf %neg3A_297, %mul3A_296 : vector<16xf32>
      %exp3A = math.exp %neg3A_298 : vector<16xf32>
      %mul3A_299 = arith.mulf %broadcast_in_dim3A_293, %exp3A : vector<16xf32>
      %mul3A_300 = arith.mulf %mul3A_299, %select_n3A : vector<16xf32>
      %add3A_301 = arith.addf %scan3A_278, %mul3A_300 : vector<16xf32>
      %mul3A_302 = arith.mulf %sub3A_295, %sub3A_295 : vector<16xf32>
      %neg3A_303 = arith.constant 0.000000e+00 : f32
      %neg3A_304 = vector.broadcast %neg3A_303 : f32 to vector<16xf32>
      %neg3A_305 = arith.subf %neg3A_304, %mul3A_302 : vector<16xf32>
      %exp3A_306 = math.exp %neg3A_305 : vector<16xf32>
      %mul3A_307 = arith.mulf %broadcast_in_dim3A_293, %exp3A_306 : vector<16xf32>
      %mul3A_308 = arith.mulf %mul3A_307, %select_n3A_206 : vector<16xf32>
      %add3A_309 = arith.addf %scan3A_279, %mul3A_308 : vector<16xf32>
      scf.yield %add3A_301, %add3A_309 : vector<16xf32>, vector<16xf32>
    }
    %scan3A_240 = arith.constant 16 : i32
    %scan3A_241 = arith.constant 0 : i32
    %scan3A_242 = arith.constant 14 : i32
    %scan3A_243 = arith.addi %scan3A_241, %scan3A_242 : i32
    %scan3A_244 = arith.constant 1 : i32
    %scan3A_245:2 = scf.for %scan3A_277 = %scan3A_241 to %scan3A_243 step %scan3A_244 iter_args(%scan3A_278 = %broadcast_in_dim3A_1, %scan3A_279 = %broadcast_in_dim3A_1) -> (vector<16xf32>, vector<16xf32>)  : i32 {
      %eq3A_280 = vector.broadcast %scan3A_277 : i32 to vector<16xi32>
      %eq3A_281 = arith.cmpi eq, %iota3A, %eq3A_280 : vector<16xi32>
      %select_n3A_282 = arith.select %eq3A_281, %div3A_200, %broadcast_in_dim3A_1 : vector<16xi1>, vector<16xf32>
      %reduce_sum3A_283 = arith.constant true
      %reduce_sum3A_284 = vector.broadcast %reduce_sum3A_283 : i1 to vector<16xi1>
      %reduce_sum3A_285 = tpu.scan <sum>, %select_n3A_282 masked %reduce_sum3A_284 : vector<16xf32>, vector<16xi1> -> vector<16xf32>
      %reduce_sum3A_286 = vector.extract %reduce_sum3A_285[15] : f32 from vector<16xf32>
      %broadcast_in_dim3A_287 = vector.broadcast %reduce_sum3A_286 : f32 to vector<16xf32>
      %select_n3A_288 = arith.select %eq3A_281, %select_n3A_206, %broadcast_in_dim3A_1 : vector<16xi1>, vector<16xf32>
      %reduce_sum3A_289 = arith.constant true
      %reduce_sum3A_290 = vector.broadcast %reduce_sum3A_289 : i1 to vector<16xi1>
      %reduce_sum3A_291 = tpu.scan <sum>, %select_n3A_288 masked %reduce_sum3A_290 : vector<16xf32>, vector<16xi1> -> vector<16xf32>
      %reduce_sum3A_292 = vector.extract %reduce_sum3A_291[15] : f32 from vector<16xf32>
      %broadcast_in_dim3A_293 = vector.broadcast %reduce_sum3A_292 : f32 to vector<16xf32>
      %sub3A_294 = arith.subf %broadcast_in_dim3A_287, %div3A : vector<16xf32>
      %sub3A_295 = arith.subf %broadcast_in_dim3A_287, %div3A_200 : vector<16xf32>
      %mul3A_296 = arith.mulf %sub3A_294, %sub3A_294 : vector<16xf32>
      %neg3A = arith.constant 0.000000e+00 : f32
      %neg3A_297 = vector.broadcast %neg3A : f32 to vector<16xf32>
      %neg3A_298 = arith.subf %neg3A_297, %mul3A_296 : vector<16xf32>
      %exp3A = math.exp %neg3A_298 : vector<16xf32>
      %mul3A_299 = arith.mulf %broadcast_in_dim3A_293, %exp3A : vector<16xf32>
      %mul3A_300 = arith.mulf %mul3A_299, %select_n3A : vector<16xf32>
      %add3A_301 = arith.addf %scan3A_278, %mul3A_300 : vector<16xf32>
      %mul3A_302 = arith.mulf %sub3A_295, %sub3A_295 : vector<16xf32>
      %neg3A_303 = arith.constant 0.000000e+00 : f32
      %neg3A_304 = vector.broadcast %neg3A_303 : f32 to vector<16xf32>
      %neg3A_305 = arith.subf %neg3A_304, %mul3A_302 : vector<16xf32>
      %exp3A_306 = math.exp %neg3A_305 : vector<16xf32>
      %mul3A_307 = arith.mulf %broadcast_in_dim3A_293, %exp3A_306 : vector<16xf32>
      %mul3A_308 = arith.mulf %mul3A_307, %select_n3A_206 : vector<16xf32>
      %add3A_309 = arith.addf %scan3A_279, %mul3A_308 : vector<16xf32>
      scf.yield %add3A_301, %add3A_309 : vector<16xf32>, vector<16xf32>
    }
    %scan3A_246 = arith.constant 14 : i32
    %add3A_247 = arith.addf %scan3A_239#0, %scan3A_245#0 : vector<16xf32>
    %add3A_248 = arith.addf %scan3A_239#1, %scan3A_245#1 : vector<16xf32>
    %reduce_sum3A_249 = arith.constant true
    %reduce_sum3A_250 = vector.broadcast %reduce_sum3A_249 : i1 to vector<16xi1>
    %reduce_sum3A_251 = tpu.scan <sum>, %add3A_247 masked %reduce_sum3A_250 : vector<16xf32>, vector<16xi1> -> vector<16xf32>
    %reduce_sum3A_252 = vector.extract %reduce_sum3A_251[15] : f32 from vector<16xf32>
    %reduce_sum3A_253 = arith.constant true
    %reduce_sum3A_254 = vector.broadcast %reduce_sum3A_253 : i1 to vector<16xi1>
    %reduce_sum3A_255 = tpu.scan <sum>, %add3A_248 masked %reduce_sum3A_254 : vector<16xf32>, vector<16xi1> -> vector<16xf32>
    %reduce_sum3A_256 = vector.extract %reduce_sum3A_255[15] : f32 from vector<16xf32>
    %add3A_257 = arith.addf %reduce_sum3A_252, %reduce_sum3A_256 : f32
    %broadcast_in_dim3A_258 = vector.broadcast %add3A_257 : f32 to vector<16xf32>
    %sub3A = arith.subf %broadcast_in_dim3A_258, %broadcast_in_dim3A_234 : vector<16xf32>
    %sub3A_259 = arith.subf %broadcast_in_dim3A_234, %broadcast_in_dim3A_3 : vector<16xf32>
    %mul3A_260 = arith.mulf %broadcast_in_dim3A_234, %sub3A_259 : vector<16xf32>
    %max3A_261 = arith.maximumf %mul3A_260, %broadcast_in_dim3A_3 : vector<16xf32>
    %mul3A_262 = arith.constant 5.000000e-01 : f32
    %mul3A_263 = vector.broadcast %mul3A_262 : f32 to vector<16xf32>
    %mul3A_264 = arith.mulf %mul3A_263, %sub3A : vector<16xf32>
    %div3A_265 = arith.divf %mul3A_264, %max3A_261 : vector<16xf32>
    %broadcast_in_dim3A_266 = vector.broadcast %add3A_224 : f32 to vector<16xf32>
    %max3A_267 = arith.maximumf %broadcast_in_dim3A_234, %broadcast_in_dim3A_3 : vector<16xf32>
    %div3A_268 = arith.divf %broadcast_in_dim3A_266, %max3A_267 : vector<16xf32>
    %eq3A = arith.constant 0 : i32
    "tpu.trace_stop"() : () -> ()
    "tpu.trace_start"() <{level = 10 : i32, message = "out"}> : () -> ()
    %eq3A_269 = vector.broadcast %eq3A : i32 to vector<16xi32>
    %eq3A_270 = arith.cmpi eq, %iota3A, %eq3A_269 : vector<16xi32>
    %eq3A_271 = arith.constant 1 : i32
    %eq3A_272 = vector.broadcast %eq3A_271 : i32 to vector<16xi32>
    %eq3A_273 = arith.cmpi eq, %iota3A, %eq3A_272 : vector<16xi32>
    %select_n3A_274 = arith.select %eq3A_273, %div3A_265, %broadcast_in_dim3A_1 : vector<16xi1>, vector<16xf32>
    %select_n3A_275 = arith.select %eq3A_270, %div3A_268, %select_n3A_274 : vector<16xi1>, vector<16xf32>
    %swap3A = arith.constant 0 : index
    %swap3A_276 = tpu.vector_load %arg7[%swap3A] {strides = array<i32>} : memref<16xf32, #tpu.memory_space<vmem>>, vector<16xf32>,
    tpu.vector_store %arg7[%swap3A], %select_n3A_275 {strides = array<i32>} : memref<16xf32, #tpu.memory_space<vmem>>, vector<16xf32>,
    "tpu.region"() ({
      %run_scoped3A = tpu.sem_alloc : memref<!tpu.dma_semaphore, #tpu.memory_space<semaphore_mem>>
      %dma_start3A_277 = arith.constant 0 : i32
      %dma_start3A_278 = tpu.memref_slice %arg4[%add3A, %dma_start3A_277] : memref<32x16xf32, #tpu.memory_space<hbm>> -> memref<1x16xf32, #tpu.memory_space<hbm>>
      %dma_start3A_279 = tpu.memref_squeeze %dma_start3A_278 : memref<1x16xf32, #tpu.memory_space<hbm>> -> memref<16xf32, #tpu.memory_space<hbm>>
      %dma_start3A_280 = arith.constant 0 : i32
      %dma_start3A_281 = tpu.memref_slice %arg4[%add3A, %dma_start3A_280] : memref<32x16xf32, #tpu.memory_space<hbm>> -> memref<1x16xf32, #tpu.memory_space<hbm>>
      %dma_start3A_282 = tpu.memref_squeeze %dma_start3A_281 : memref<1x16xf32, #tpu.memory_space<hbm>> -> memref<16xf32, #tpu.memory_space<hbm>>
      tpu.enqueue_dma source(%arg7 : memref<16xf32, #tpu.memory_space<vmem>>) target(%dma_start3A_282 : memref<16xf32, #tpu.memory_space<hbm>>) target_semaphore(%run_scoped3A : memref<!tpu.dma_semaphore, #tpu.memory_space<semaphore_mem>>)
      %dma_wait3A_283 = arith.constant 0 : i32
      %dma_wait3A_284 = tpu.memref_slice %arg4[%add3A, %dma_wait3A_283] : memref<32x16xf32, #tpu.memory_space<hbm>> -> memref<1x16xf32, #tpu.memory_space<hbm>>
      %dma_wait3A_285 = tpu.memref_squeeze %dma_wait3A_284 : memref<1x16xf32, #tpu.memory_space<hbm>> -> memref<16xf32, #tpu.memory_space<hbm>>
      %dma_wait3A_286 = arith.constant 0 : i32
      %dma_wait3A_287 = tpu.memref_slice %arg4[%add3A, %dma_wait3A_286] : memref<32x16xf32, #tpu.memory_space<hbm>> -> memref<1x16xf32, #tpu.memory_space<hbm>>
      %dma_wait3A_288 = tpu.memref_squeeze %dma_wait3A_287 : memref<1x16xf32, #tpu.memory_space<hbm>> -> memref<16xf32, #tpu.memory_space<hbm>>
      tpu.wait_dma2 semaphore(%run_scoped3A : memref<!tpu.dma_semaphore, #tpu.memory_space<semaphore_mem>>) src(%arg7 : memref<16xf32, #tpu.memory_space<vmem>>) dst(%dma_wait3A_288 : memref<16xf32, #tpu.memory_space<hbm>>)
      tpu.yield
    }) : () -> ()
    "tpu.trace_stop"() : () -> ()
    return
  }
}

</mosaic_0001>

<sc_bundles>
// kernel: kernel.3.cloned.1.call-start
scs
__scs_entry_jumppad:
0x0: {  	(pc) =	sbr.rel $0x88, $3  }
0x1: {  	(tag) =	ssettag $0x0;
	lr =	simm.s32 $0x1  }
0x2: {  	[smem:$0x3F9F] =	sst lr;
	_ =	strace $0xD0000000  }
0x3: {  	_ = 	snop  }
0x4: {  	_ = 	snop  }
0x5: {  	_ = 	snop  }
0x6: {  	_ = 	snop  }
0x7: {  	_ = 	snop  }
__scs_overlays_trampoline_lowered:
0x8: {  	[smem:$0x3FAE] =	sst s0  }
0x9: {  	[smem:$0x3FAF] =	sst s1  }
0xa: {  	[smem:$0x3FB0] =	sst s2  }
0xb: {  	[smem:$0x3FB1] =	sst s3  }
0xc: {  	[smem:$0x3FB2] =	sst s4  }
0xd: {  	[smem:$0x3FB3] =	sst s5  }
0xe: {  	[smem:$0x3FB4] =	sst s6  }
0xf: {  	[smem:$0x3FB5] =	sst s7  }
0x10: {  	[smem:$0x3FB6] =	sst s8  }
0x11: {  	[smem:$0x3FB7] =	sst s9;
	s0 =	simm.s32 @!p0 $0x0  }
0x12: {  	s1 =	sld [smem:$0x3F9D];
	s0 =	simm.s32 @p0 $0x1  }
0x13: {  	[smem:$0x3FB8] =	sst s0;
	s0 =	simm.s32 @!p1 $0x0  }
0x14: {  	s2 =	sld [smem:$0x3F9C];
	s0 =	simm.s32 @p1 $0x1  }
0x15: {  	[smem:$0x3FB9] =	sst s0;
	s0 =	simm.s32 @!p2 $0x0  }
0x16: {  	s3 =	sld [smem:$0x3FDB];
	s0 =	simm.s32 @p2 $0x1  }
0x17: {  	s4 =	simm.s32 $0x1BF5;
	[smem:$0x3FBB] =	sst s0  }
0x18: {  	s0 =	sld [smem:$0x3F9E];
	_ =	swait.ge [sflag:s4], $0x0  }
0x19: {  	s7 =	sld [smem:$0x3F9F]  }
0x1a: {  	s8 =	sadd.s32 $0xFFFFE003, lr  }
0x1b: {  	s9 =	sadd.s32 $0xFFFFFEF7, lr;
	s5 =	simm.s32 $0xFFFFFFFF;
	p2 =	slt.u32 s8, $0xFFFFF086  }
0x1c: {  	p1 =	slt.u32 s9, $0xF7A;
	s5 =	simm.s32 @!p2 $0x0  }
0x1d: {  	s5 =	simm.s32 @p1 $0x1;
	p0 =	seq.s32 s7, s2  }
0x1e: {  	s7 =	smul.u32 @!p0 $0xF7A, s2;
	p2 =	seq.s32 @!p0 s5, $0x0  }
0x1f: {  	s9 =	smul.u32 $0xF7A, s1;
	s8 =	simm.s32 @!p0 $0x1BF5;
	p2 =	por !p2, p0  }
0x20: {  	[sflag:s8] =	ssyncset.s32 @!p0 $0xFFFFF086;
	s6 =	sadd.s32 @!p0 s3, s7;
	s7 =	simm.s32 @!p0 $0x108  }
0x21: {  	s3 =	sadd.s32 s3, s9;
	s6 =	sadd.s32 @!p0 $0x88, s6;
	s7 =	simm.s32 @p2 $0x1082  }
0x22: {  	[simem:s7], [sflag:s8] =	dma.local @!p0 [hbm:s6], $0xF7A  }
0x23: {  	s9 =	sor.u32 $0xD0000000, s2;
	s6 =	simm.s32 $0x108;
	_ =	swait.ge @!p0 [sflag:s8], $0x0  }
0x24: {  	s3 =	sadd.s32 $0x88, s3;
	s6 =	simm.s32 @!p1 $0x1082;
	[sflag:s4] =	ssyncset.s32 $0xFFFFF086  }
0x25: {  	[simem:s6], [sflag:s4] =	dma.local [hbm:s3], $0xF7A  }
0x26: {  	[smem:$0x3F9F] =	sst s1;
	(tag) =	ssettag s2;
	_ =	strace s9  }
0x27: {  	s1 =	sld [smem:$0x3FAF]  }
0x28: {  	s2 =	sld [smem:$0x3FB0]  }
0x29: {  	s4 =	sld [smem:$0x3FB2]  }
0x2a: {  	p0 =	seq.s32 s5, $0x0;
	s5 =	sld [smem:$0x3FB3]  }
0x2b: {  	s6 =	sld [smem:$0x3FB4]  }
0x2c: {  	s7 =	sld [smem:$0x3FB5]  }
0x2d: {  	s3 =	simm.s32 $0x108;
	s8 =	sld [smem:$0x3FB6]  }
0x2e: {  	s3 =	simm.s32 @!p0 $0x1082;
	s9 =	sld [smem:$0x3FB7]  }
0x2f: {  	lr =	sadd.s32 s0, s3;
	s0 =	sld [smem:$0x3FAE]  }
0x30: {  	s3 =	sld [smem:$0x3FB1]  }
0x31: {  	[smem:$0x3FBA] =	sst s10  }
0x32: {  	s10 =	sld [smem:$0x3FB8];
	_ =	sdelay $0x3  }
0x33: {  	p0 =	seq.s32 s10, $0x1;
	s10 =	sld [smem:$0x3FBA];
	_ =	sdelay $0x3  }
0x34: {  	[smem:$0x3FBA] =	sst s10  }
0x35: {  	s10 =	sld [smem:$0x3FB9];
	_ =	sdelay $0x3  }
0x36: {  	p1 =	seq.s32 s10, $0x1;
	s10 =	sld [smem:$0x3FBA];
	_ =	sdelay $0x3  }
0x37: {  	[smem:$0x3FBA] =	sst s10  }
0x38: {  	s10 =	sld [smem:$0x3FBB]  }
0x39: {  	_ = 	snop;
	(pc) =	sbr.ind lr, $3  }
0x3a: {  	_ = 	snop  }
0x3b: {  	_ = 	snop  }
0x3c: {  	p2 =	seq.s32 s10, $0x1;
	s10 =	sld [smem:$0x3FBA]  }
0x3d: {  	_ =	shalt  }
0x3e: {  	_ =	shalt  }
0x3f: {  	_ =	shalt  }
0x40: {  	_ =	shalt  }
0x41: {  	_ =	shalt  }
0x42: {  	_ =	shalt  }
0x43: {  	_ =	shalt  }
0x44: {  	_ =	shalt  }
0x45: {  	_ =	shalt  }
0x46: {  	_ =	shalt  }
0x47: {  	_ =	shalt  }
0x48: {  	_ =	shalt  }
0x49: {  	_ =	shalt  }
0x4a: {  	_ =	shalt  }
0x4b: {  	_ =	shalt  }
0x4c: {  	_ =	shalt  }
0x4d: {  	_ =	shalt  }
0x4e: {  	_ =	shalt  }
0x4f: {  	_ =	shalt  }
0x50: {  	_ =	shalt  }
0x51: {  	_ =	shalt  }
0x52: {  	_ =	shalt  }
0x53: {  	_ =	shalt  }
0x54: {  	_ =	shalt  }
0x55: {  	_ =	shalt  }
0x56: {  	_ =	shalt  }
0x57: {  	_ =	shalt  }
0x58: {  	_ =	shalt  }
0x59: {  	_ =	shalt  }
0x5a: {  	_ =	shalt  }
0x5b: {  	_ =	shalt  }
0x5c: {  	_ =	shalt  }
0x5d: {  	_ =	shalt  }
0x5e: {  	_ =	shalt  }
0x5f: {  	_ =	shalt  }
0x60: {  	_ =	shalt  }
0x61: {  	_ =	shalt  }
0x62: {  	_ =	shalt  }
0x63: {  	_ =	shalt  }
0x64: {  	_ =	shalt  }
0x65: {  	_ =	shalt  }
0x66: {  	_ =	shalt  }
0x67: {  	_ =	shalt  }
0x68: {  	_ =	shalt  }
0x69: {  	_ =	shalt  }
0x6a: {  	_ =	shalt  }
0x6b: {  	_ =	shalt  }
0x6c: {  	_ =	shalt  }
0x6d: {  	_ =	shalt  }
0x6e: {  	_ =	shalt  }
0x6f: {  	_ =	shalt  }
0x70: {  	_ =	shalt  }
0x71: {  	_ =	shalt  }
0x72: {  	_ =	shalt  }
0x73: {  	_ =	shalt  }
0x74: {  	_ =	shalt  }
0x75: {  	_ =	shalt  }
0x76: {  	_ =	shalt  }
0x77: {  	_ =	shalt  }
0x78: {  	_ =	shalt  }
0x79: {  	_ =	shalt  }
0x7a: {  	_ =	shalt  }
0x7b: {  	_ =	shalt  }
0x7c: {  	_ =	shalt  }
0x7d: {  	_ =	shalt  }
0x7e: {  	_ =	shalt  }
0x7f: {  	_ =	shalt  }
0x80: {  	_ =	shalt  }
0x81: {  	_ =	shalt  }
0x82: {  	_ =	shalt  }
0x83: {  	_ =	shalt  }
0x84: {  	_ =	shalt  }
0x85: {  	_ =	shalt  }
0x86: {  	_ =	shalt  }
0x87: {  	_ =	shalt  }
.Lfunc_end0:
.L_simem_size_0:
called_computation_lowered:
.L_overlay_start_0:
0x88: {  	s2 =	sld [smem:$0x3FD9]  }
0x89: {  	s3 =	sld [smem:$0x3FFE];
	_ =	sdelay $0x1  }
0x8a: {  	s1 =	srdreg.scid  }
0x8b: {  	s0 =	sand.u32 $0x1, s1  }
0x8c: {  	s17 =	sshll.u32 s0, $0xA;
	s2 =	sadd.s32 s3, s2  }
0x8d: {  	s2 =	sadd.s32 s2, s17  }
0x8e: {  	[smem:$0x3FC6] =	sst s2  }
0x8f: {  	_ = 	snop  }
0x90: {  	s2 =	sld [smem:$0x3FC9];
	(tm) =	ssettm $0x1  }
0x91: {  	s18 =	sld [smem:$0x3FFB];
	_ =	sdelay $0x3  }
0x92: {  	_ =	strace s18  }
0x93: {  	s3 =	sld [smem:$0x3FFC];
	_ =	sdelay $0x3  }
0x94: {  	_ =	strace s3  }
0x95: {  	s3 =	sld [smem:$0x3FFD];
	_ =	sdelay $0x3  }
0x96: {  	_ =	strace s3  }
0x97: {  	_ =	strace $0x8FFFFFFF  }
0x98: {  	s19 =	sld [smem:$0x3FDB];
	_ =	sdelay $0x1  }
0x99: {  	s4 =	simm.s32 $_scs_section_size  }
0x9a: {  	s5 =	simm.s32 $_size__tile_overlayer_lowered;
	s6 =	simm.s32 $_tile_overlayer_lowered  }
0x9b: {  	s22 =	simm.s32 $0x1BFF;
	s21 =	sshll.u32 s6, $0x1;
	s3 =	sadd.s32 s4, s19  }
0x9c: {  	s7 =	simm.s32 $0x0;
	s20 =	sshll.u32 s5, $0x1;
	s5 =	sadd.s32 s21, s3  }
0x9d: {  	[timem:s7], [sflag:s22] =	dma.local [hbm:s5], s20  }
0x9e: {  	_ =	swait.ge [sflag:s22], s20  }
0x9f: {  	s4 =	ssub.s32 $0x0, s20;
	[sflag:s22] =	ssyncset.done $0x0  }
0xa0: {  	[sflag:s22] =	ssyncadd.s32 s4;
	_ =	sdelay $0x1  }
0xa1: {  	s23 =	simm.s32 $0x1B8B  }
0xa2: {  	_ =	swait.ge [sflag:s23], $0x1  }
0xa3: {  	[sflag:s23] =	ssyncset.done $0x0  }
0xa4: {  	s25 =	simm.s32 $0x1B8E;
	s24 =	sld [smem:$0x3FFE];
	[sflag:s23] =	ssyncadd.s32 $0xFFFFFFFF  }
0xa5: {  	s26 =	simm.s32 $execute0_lowered;
	[smem:$0x3FD2] =	sst s25  }
0xa6: {  	s5 =	sshll.u32 s26, $0x1;
	_ =	strace $0x80000046;
	[dreg:$0x1] =	wrdreg $0xFFFFFFFF  }
0xa7: {  	s28 =	simm.s32 $_size_execute0_lowered;
	s3 =	sadd.s32 s3, s5;
	[dreg:$0x0] =	wrdreg $0x0  }
0xa8: {  	s5 =	sshll.u32 s28, $0x1;
	[dreg:$0x2] =	wrdreg s3  }
0xa9: {  	[dreg:$0x3] =	wrdreg s5  }
0xaa: {  	[dreg:$0x4] =	wrdreg $0xC0  }
0xab: {  	_ =	task [dreg:s7], $0x5FFFF  }
0xac: {  	[dreg:$0x1] =	wrdreg $0xFFFFFFFF  }
0xad: {  	[dreg:$0x0] =	wrdreg $0x60  }
0xae: {  	[dreg:$0x2] =	wrdreg s2  }
0xaf: {  	[dreg:$0x3] =	wrdreg s24  }
0xb0: {  	[dreg:$0x4] =	wrdreg $0x9  }
0xb1: {  	_ =	task.clear_ibuf [dreg:s7], $0x5FFFF;
	_ =	strace $0x90000046  }
0xb2: {  	s29 =	simm.s32 $0x9;
	_ =	strace $0x80000050  }
0xb3: {  	_ =	swait.ge [sflag:s29], $0x1  }
0xb4: {  	[sflag:s29] =	ssyncadd.s32 $0xFFFFFFFF  }
0xb5: {  	_ =	strace $0x90000050  }
0xb6: {  	_ =	sfence  }
0xb7: {  	s30 =	sld [smem:$0x0];
	_ =	sdelay $0x2  }
0xb8: {  	s31 =	sshll.u32 s1, $0xD;
	s1 =	sshrl.u32 s1, $0x2  }
0xb9: {  	s3 =	sand.u32 $0x4000, s31;
	s1 =	sadd.s32 s1, s30  }
0xba: {  	s0 =	sor.u32 s3, s0;
	s1 =	sshll.u32 s1, $0x11  }
0xbb: {  	s0 =	sor.u32 s1, s0  }
0xbc: {  	s0 =	sadd.s32 $0x8F2B, s0  }
0xbd: {  	[sflag:s0] =	ssyncadd.remote.s32 $0x1  }
0xbe: {  	_ =	sfence.sel $0xFFFF  }
0xbf: {  	[dreg:$0x0] =	wrdreg $0xFFFFFFFF;
	(pc) =	sbr.abs _section_cstart, $3  }
0xc0: {  	[dreg:$0x1] =	wrdreg $0xFFFFFFFF  }
0xc1: {  	_ =	task.clear_ibuf [dreg:s7], $0x2FFFF;
	_ =	strace $0x9FFFFFFF  }
0xc2: {  	(tm) =	ssettm $0x7FFFFFFF  }
0xc3: {  	_ =	shalt  }
tec
execute0_lowered:
.L_overlay_start_1:
0x0: {  	(tag) =	ssettag $0x1  }
0x1: {  	s1 =	rddreg [dreg:$0x0]  }
0x2: {  	s0 =	rddreg [dreg:$0x1]  }
0x3: {  	s3 =	simm.s32 $0x0;
	s2 =	srdreg.scid;
	s5 =	stileid.u32  }
0x4: {  	s8 =	simm.s32 $0x80;
	s9 =	simm.s32 $0x400;
	s10 =	simm.s32 $0x2  }
0x5: {  	s11 =	simm.s32 $0x28;
	s31 =	simm.s32 $0x190;
	s12 =	simm.s32 $0x6B8  }
0x6: {  	s13 =	simm.s32 $0x1E0;
	s14 =	simm.s32 $0x6E0;
	s15 =	simm.s32 $0x208  }
0x7: {  	s16 =	simm.s32 $0x708;
	s17 =	simm.s32 $0x230;
	s18 =	simm.s32 $0x730  }
0x8: {  	s19 =	simm.s32 $0x258;
	s20 =	simm.s32 $0x758;
	s21 =	simm.s32 $0x280  }
0x9: {  	s22 =	simm.s32 $0x1;
	s23 =	simm.s32 $0x780;
	s24 =	simm.s32 $0x0  }
0xa: {  	[smem:$0x7FF] =	sst s3;
	s2 =	sand.u32 $0x1, s2;
	s4 =	sshll.u32 s5, $0x8  }
0xb: {  	s5 =	sshrl.u32 s5, $0x2;
	s7 =	sadd.s32 $0x600, s0;
	s6 =	sshll.u32 s2, $0x7  }
0xc: {  	s4 =	sand.u32 $0x300, s4;
	s26 =	sshll.u32 s5, $0xA;
	s5 =	smul.u32 $0x2800, s5  }
0xd: {  	_ =	strace $0x80000047;
	s2 =	ssub.s32 $0x2, s2;
	s4 =	sor.u32 s6, s4  }
0xe: {  	s28 =	sshrl.u32 s2, $0x1;
	s6 =	sor.u32 s26, s4;
	s4 =	sor.u32 s5, s4  }
0xf: {  	s2 =	ssub.s32 s2, s28;
	s6 =	sshrl.u32 s6, $0x3;
	s29 =	sadd.s32 $0x1400, s4  }
0x10: {  	s4 =	sshrl.u32 s4, $0x3;
	s0 =	sadd.s32 s6, s0;
	s30 =	sshrl.u32 s29, $0x3  }
0x11: {  	v0 =	vimm.f32 $0.0e+00;
	s4 =	sadd.s32 s7, s4;
	s5 =	sadd.s32 s7, s30;
	s6 =	sadd.s32 $0x1A00, s0  }
0x12: {  	v1 =	vlaneseq.u32;
	vm0 =	vcmask $0x3F08;
	vm1 =	vmmov $0x1;
	s7 =	smax.u32 s2, $0x1;
	s0 =	simm.s32 $0x690;
	s2 =	simm.s32 $0x1B8  }
.LBB2_1:
0x13: {  	_ =	strace $0x80000048  }
0x14: {  	[tilespmem:s3], [sflag:$0x2] =	stream.strided.gather [hbm4b:s4+s8], $0x280, s9, s8, $0x200038;
	[tilespmem:$0x800] =	vst v63  }
0x15: {  	_ =	swait.ge [sflag:s10], $0x280  }
0x16: {  	[sflag:s10] =	ssyncset.done $0x0  }
0x17: {  	[sflag:s10] =	ssyncadd.s32 $0xFFFFFD80  }
0x18: {  	_ =	strace $0x90000048  }
0x19: {  	s25 =	simm.s32 $0x500;
	_ =	strace $0x80000049  }
0x1a: {  	[tilespmem:s25], [sflag:$0x1] =	stream.indirect.gather [hbm4b:s1+s11], $0x1, s3, s11, $0x2000b8;
	[tilespmem:$0x800] =	vst v63  }
0x1b: {  	s29 =	simm.s32 $0x528  }
0x1c: {  	[tilespmem:s29], [sflag:$0x1] =	stream.indirect.gather [hbm4b:s1+s11], $0x1, s11, s11, $0x2000b8;
	[tilespmem:$0x800] =	vst v63  }
0x1d: {  	s30 =	simm.s32 $0x50;
	s26 =	simm.s32 $0x550  }
0x1e: {  	[tilespmem:s26], [sflag:$0x1] =	stream.indirect.gather [hbm4b:s1+s11], $0x1, s30, s11, $0x2000b8;
	[tilespmem:$0x800] =	vst v63  }
0x1f: {  	s29 =	simm.s32 $0x78;
	s30 =	simm.s32 $0x578  }
0x20: {  	[tilespmem:s30], [sflag:$0x1] =	stream.indirect.gather [hbm4b:s1+s11], $0x1, s29, s11, $0x2000b8;
	[tilespmem:$0x800] =	vst v63  }
0x21: {  	s29 =	simm.s32 $0xA0;
	s30 =	simm.s32 $0x5A0  }
0x22: {  	[tilespmem:s30], [sflag:$0x1] =	stream.indirect.gather [hbm4b:s1+s11], $0x1, s29, s11, $0x2000b8;
	[tilespmem:$0x800] =	vst v63  }
0x23: {  	s29 =	simm.s32 $0xC8;
	s30 =	simm.s32 $0x5C8  }
0x24: {  	[tilespmem:s30], [sflag:$0x1] =	stream.indirect.gather [hbm4b:s1+s11], $0x1, s29, s11, $0x2000b8;
	[tilespmem:$0x800] =	vst v63  }
0x25: {  	s29 =	simm.s32 $0xF0;
	s30 =	simm.s32 $0x5F0  }
0x26: {  	[tilespmem:s30], [sflag:$0x1] =	stream.indirect.gather [hbm4b:s1+s11], $0x1, s29, s11, $0x2000b8;
	[tilespmem:$0x800] =	vst v63  }
0x27: {  	s29 =	simm.s32 $0x118;
	s30 =	simm.s32 $0x618  }
0x28: {  	[tilespmem:s30], [sflag:$0x1] =	stream.indirect.gather [hbm4b:s1+s11], $0x1, s29, s11, $0x2000b8;
	[tilespmem:$0x800] =	vst v63  }
0x29: {  	s29 =	simm.s32 $0x140;
	s30 =	simm.s32 $0x640  }
0x2a: {  	[tilespmem:s30], [sflag:$0x1] =	stream.indirect.gather [hbm4b:s1+s11], $0x1, s29, s11, $0x2000b8;
	[tilespmem:$0x800] =	vst v63  }
0x2b: {  	s26 =	simm.s32 $0x168;
	s29 =	simm.s32 $0x668  }
0x2c: {  	[tilespmem:s29], [sflag:$0x1] =	stream.indirect.gather [hbm4b:s1+s11], $0x1, s26, s11, $0x2000b8;
	[tilespmem:$0x800] =	vst v63  }
0x2d: {  	_ = 	snop  }
0x2e: {  	[tilespmem:s0], [sflag:$0x1] =	stream.indirect.gather [hbm4b:s1+s11], $0x1, s31, s11, $0x2000b8;
	[tilespmem:$0x800] =	vst v63  }
0x2f: {  	_ = 	snop  }
0x30: {  	[tilespmem:s12], [sflag:$0x1] =	stream.indirect.gather [hbm4b:s1+s11], $0x1, s2, s11, $0x2000b8;
	[tilespmem:$0x800] =	vst v63  }
0x31: {  	_ = 	snop  }
0x32: {  	[tilespmem:s14], [sflag:$0x1] =	stream.indirect.gather [hbm4b:s1+s11], $0x1, s13, s11, $0x2000b8;
	[tilespmem:$0x800] =	vst v63  }
0x33: {  	_ = 	snop  }
0x34: {  	[tilespmem:s16], [sflag:$0x1] =	stream.indirect.gather [hbm4b:s1+s11], $0x1, s15, s11, $0x2000b8;
	[tilespmem:$0x800] =	vst v63  }
0x35: {  	_ = 	snop  }
0x36: {  	[tilespmem:s18], [sflag:$0x1] =	stream.indirect.gather [hbm4b:s1+s11], $0x1, s17, s11, $0x2000b8;
	[tilespmem:$0x800] =	vst v63  }
0x37: {  	_ = 	snop  }
0x38: {  	[tilespmem:s20], [sflag:$0x1] =	stream.indirect.gather [hbm4b:s1+s11], $0x1, s19, s11, $0x2000b8;
	[tilespmem:$0x800] =	vst v63  }
0x39: {  	_ =	strace $0x90000049  }
0x3a: {  	_ =	strace $0x8000004A  }
0x3b: {  	[tilespmem:s21], [sflag:$0x2] =	stream.strided.gather [hbm4b:s5+s8], $0x280, s9, s8, $0x200038;
	[tilespmem:$0x800] =	vst v63  }
0x3c: {  	_ =	swait.ge [sflag:s10], $0x280  }
0x3d: {  	[sflag:s10] =	ssyncset.done $0x0  }
0x3e: {  	[sflag:s10] =	ssyncadd.s32 $0xFFFFFD80  }
0x3f: {  	_ =	strace $0x9000004A  }
0x40: {  	_ =	strace $0x8000004B  }
0x41: {  	_ =	swait.ge [sflag:s22], $0x28  }
0x42: {  	[sflag:s22] =	ssyncset.done $0x0  }
0x43: {  	[sflag:s22] =	ssyncadd.s32 $0xFFFFFFD8  }
0x44: {  	_ =	swait.ge [sflag:s22], $0x28  }
0x45: {  	[sflag:s22] =	ssyncset.done $0x0  }
0x46: {  	[sflag:s22] =	ssyncadd.s32 $0xFFFFFFD8  }
0x47: {  	_ =	swait.ge [sflag:s22], $0x28  }
0x48: {  	[sflag:s22] =	ssyncset.done $0x0  }
0x49: {  	[sflag:s22] =	ssyncadd.s32 $0xFFFFFFD8  }
0x4a: {  	_ =	swait.ge [sflag:s22], $0x28  }
0x4b: {  	[sflag:s22] =	ssyncset.done $0x0  }
0x4c: {  	[sflag:s22] =	ssyncadd.s32 $0xFFFFFFD8  }
0x4d: {  	_ =	swait.ge [sflag:s22], $0x28  }
0x4e: {  	[sflag:s22] =	ssyncset.done $0x0  }
0x4f: {  	[sflag:s22] =	ssyncadd.s32 $0xFFFFFFD8  }
0x50: {  	_ =	swait.ge [sflag:s22], $0x28  }
0x51: {  	[sflag:s22] =	ssyncset.done $0x0  }
0x52: {  	[sflag:s22] =	ssyncadd.s32 $0xFFFFFFD8  }
0x53: {  	_ =	swait.ge [sflag:s22], $0x28  }
0x54: {  	[sflag:s22] =	ssyncset.done $0x0  }
0x55: {  	[sflag:s22] =	ssyncadd.s32 $0xFFFFFFD8  }
0x56: {  	_ =	swait.ge [sflag:s22], $0x28  }
0x57: {  	[sflag:s22] =	ssyncset.done $0x0  }
0x58: {  	[sflag:s22] =	ssyncadd.s32 $0xFFFFFFD8  }
0x59: {  	_ =	swait.ge [sflag:s22], $0x28  }
0x5a: {  	[sflag:s22] =	ssyncset.done $0x0  }
0x5b: {  	[sflag:s22] =	ssyncadd.s32 $0xFFFFFFD8  }
0x5c: {  	_ =	swait.ge [sflag:s22], $0x28  }
0x5d: {  	[sflag:s22] =	ssyncset.done $0x0  }
0x5e: {  	[sflag:s22] =	ssyncadd.s32 $0xFFFFFFD8  }
0x5f: {  	_ =	swait.ge [sflag:s22], $0x28  }
0x60: {  	[sflag:s22] =	ssyncset.done $0x0  }
0x61: {  	[sflag:s22] =	ssyncadd.s32 $0xFFFFFFD8  }
0x62: {  	_ =	swait.ge [sflag:s22], $0x28  }
0x63: {  	[sflag:s22] =	ssyncset.done $0x0  }
0x64: {  	[sflag:s22] =	ssyncadd.s32 $0xFFFFFFD8  }
0x65: {  	_ =	swait.ge [sflag:s22], $0x28  }
0x66: {  	[sflag:s22] =	ssyncset.done $0x0  }
0x67: {  	[sflag:s22] =	ssyncadd.s32 $0xFFFFFFD8  }
0x68: {  	_ =	swait.ge [sflag:s22], $0x28  }
0x69: {  	[sflag:s22] =	ssyncset.done $0x0  }
0x6a: {  	[sflag:s22] =	ssyncadd.s32 $0xFFFFFFD8  }
0x6b: {  	_ =	swait.ge [sflag:s22], $0x28  }
0x6c: {  	[sflag:s22] =	ssyncset.done $0x0  }
0x6d: {  	[sflag:s22] =	ssyncadd.s32 $0xFFFFFFD8  }
0x6e: {  	_ =	swait.ge [sflag:s22], $0x28  }
0x6f: {  	[sflag:s22] =	ssyncset.done $0x0  }
0x70: {  	[sflag:s22] =	ssyncadd.s32 $0xFFFFFFD8  }
0x71: {  	_ =	strace $0x9000004B  }
0x72: {  	s30 =	sand.u32 $0x3E0, s3;
	_ =	strace $0x8000004C  }
0x73: {  	s25 =	simm.s32 $0x290;
	v3 =	vld [tilespmem:s30+$0x280]  }
0x74: {  	s26 =	simm.s32 $0x510;
	v6 =	vld [tilespmem:s25+$0x0]  }
0x75: {  	v5 =	vld [tilespmem:s26+$0xFFFFFFF0]  }
0x76: {  	v2 =	vimm.f32 $0.0e+00;
	v9 =	vld [tilespmem:s26+$0x0]  }
0x77: {  	s28 =	simm.s32 $0x20;
	v8 =	vimm.f32 $0.0e+00;
	v4 =	vimm.f32 $0.0e+00;
	v7 =	vimm.f32 $0.0e+00  }
.LBB2_2:
0x78: {  	s29 =	sand.u32 $0x3E0, s28;
	p0 =	sne.s32 s28, $0x200;
	s28 =	sadd.s32 $0x20, s28;
	vm2 =	vgt.s32 v3, $0x0  }
.Ltmp0:
0x79: {  	s25 =	sadd.s32 $0x20, s25;
	v3 =	vld [tilespmem:s29+$0x280];
	v10 =	vsel vm2, $0x3F800000, v0;
	vm2 =	vgt.s32 v6, $0x0;
	(pc) =	sbr.rel @p0 .LBB2_2-.Ltmp0, $4  }
0x7a: {  	s26 =	sadd.s32 $0x20, s26;
	v6 =	vld [tilespmem:s25+$0x0];
	v11 =	vsel vm2, $0x3F800000, v0;
	v2 =	vadd.f32 v10, v2;
	v10 =	vmul.f32 v10, v5  }
0x7b: {  	v5 =	vld [tilespmem:s26+$0xFFFFFFF0];
	v8 =	vadd.f32 v11, v8;
	v11 =	vmul.f32 v11, v9  }
0x7c: {  	v9 =	vld [tilespmem:s26+$0x0];
	v4 =	vadd.f32 v10, v4  }
0x7d: {  	v7 =	vadd.f32 v11, v7  }
0x7e: {  	vm2 =	vgt.s32 v3, $0x0  }
0x7f: {  	v10 =	vsel vm2, $0x3F800000, v0;
	vm2 =	vgt.s32 v6, $0x0  }
0x80: {  	v11 =	vsel vm2, $0x3F800000, v0;
	v6 =	vadd.f32 v10, v2  }
0x81: {  	v8 =	vadd.f32 v11, v8  }
0x82: {  	v2 =	vmax.f32 v6, $1.000000000e+00  }
0x83: {  	v3 =	vmax.f32 v8, $1.000000000e+00;
	(erf) = vrcp.f32 v2  }
0x84: {  	(erf) = vrcp.f32 v3;
	_ =	sdelay $0x7  }
0x85: {  	v3 =	vpop (erf)  }
0x86: {  	v2 =	vpop (erf)  }
0x87: {  	_ =	strace $0x9000004C  }
0x88: {  	s25 =	simm.s32 $0x510;
	v9 =	vmul.f32 v11, v9;
	_ =	strace $0x8000004D  }
0x89: {  	v11 =	vld [tilespmem:s25+$0x0]  }
0x8a: {  	s26 =	simm.s32 $0x290;
	v5 =	vmul.f32 v10, v5;
	v7 =	vadd.f32 v9, v7;
	v9 =	vld [tilespmem:s25+$0xFFFFFFF0]  }
0x8b: {  	s30 =	simm.s32 $0x0;
	v10 =	vld [tilespmem:s26+$0x0]  }
0x8c: {  	v4 =	vadd.f32 v5, v4;
	v5 =	vmul.f32 v2, v7;
	s25 =	sand.u32 $0x3E0, s30  }
0x8d: {  	v7 =	vld [tilespmem:s25+$0x280]  }
0x8e: {  	v4 =	vmul.f32 v3, v4;
	v11 =	vsub.f32 v11, v5  }
0x8f: {  	s29 =	simm.s32 $0x530  }
0x90: {  	v14 =	vld [tilespmem:s29+$0x0];
	v9 =	vsub.f32 v9, v4;
	vm2 =	vgt.s32 v10, $0x0;
	v10 =	vmul.f32 v11, v11  }
0x91: {  	s30 =	simm.s32 $0x20;
	s25 =	simm.s32 $0x2B0;
	v12 =	vsel vm2, $0x3F800000, v0;
	v11 =	vld [tilespmem:s29+$0xFFFFFFF0]  }
0x92: {  	s28 =	sand.u32 $0x3E0, s30;
	vm2 =	vgt.s32 v7, $0x0;
	v7 =	vmul.f32 v9, v9;
	v9 =	vmul.f32 v10, v12;
	v12 =	vld [tilespmem:s25+$0x0]  }
0x93: {  	v13 =	vld [tilespmem:s28+$0x280];
	v15 =	vsel vm2, $0x3F800000, v0  }
0x94: {  	v10 =	vimm.f32 $0.0e+00;
	v15 =	vmul.f32 v7, v15  }
0x95: {  	s26 =	simm.s32 $0x40;
	s28 =	simm.s32 $0x550;
	v14 =	vsub.f32 v14, v5;
	v9 =	vadd.f32 v9, v10  }
.LBB2_4:
0x96: {  	v7 =	vld [tilespmem:s28+$0x0];
	p0 =	sne.s32 s26, $0x200;
	v16 =	vsub.f32 v11, v4;
	v10 =	vadd.f32 v15, v10;
	s29 =	smov.u32 s26;
	s26 =	sadd.s32 $0x20, s26  }
.Ltmp1:
0x97: {  	s25 =	sadd.s32 $0x20, s25;
	v11 =	vld [tilespmem:s28+$0xFFFFFFF0];
	vm2 =	vgt.s32 v12, $0x0;
	v14 =	vmul.f32 v14, v14;
	(pc) =	sbr.rel @p0 .LBB2_4-.Ltmp1, $4  }
0x98: {  	s29 =	sand.u32 $0x3E0, s29;
	v12 =	vld [tilespmem:s25+$0x0];
	vm3 =	vgt.s32 v13, $0x0;
	v15 =	vsel vm2, $0x3F800000, v0;
	v16 =	vmul.f32 v16, v16  }
0x99: {  	v13 =	vld [tilespmem:s29+$0x280];
	v17 =	vsel vm3, $0x3F800000, v0;
	v18 =	vmul.f32 v14, v15  }
0x9a: {  	v15 =	vmul.f32 v16, v17  }
0x9b: {  	s28 =	sadd.s32 $0x20, s28;
	v14 =	vsub.f32 v7, v5;
	v9 =	vadd.f32 v18, v9  }
0x9c: {  	s25 =	simm.s32 $0x0  }
0x9d: {  	v7 =	vmov s25  }
0x9e: {  	_ =	strace $0x9000004D;
	vm10 =	veq.s32 v7, v1  }
0x9f: {  	_ =	strace $0x8000004E;
	v7 =	vnsel vm10, $0x0, v4  }
0xa0: {  	(xrf2) =	vadd.scan.msk.f32 $0xffff, v7;
	_ =	sdelay $0x2  }
0xa1: {  	s26 =	simm.s32 $0x1  }
0xa2: {  	v7 =	vmov s26  }
0xa3: {  	vm9 =	veq.s32 v7, v1  }
0xa4: {  	v7 =	vnsel vm9, $0x0, v4  }
0xa5: {  	(xrf2) =	vadd.scan.msk.f32 $0xffff, v7;
	_ =	sdelay $0x2  }
0xa6: {  	vm2 =	vgt.f32 v6, $0.0e+00;
	v11 =	vsub.f32 v11, v4;
	v6, _, _ =	vpop (xrf2)  }
0xa7: {  	s28 =	simm.s32 $0x2;
	vm3 =	vmmov vm10;
	v7 =	vimm.f32 $0.0e+00;
	v16 =	vbroadcast v6, $0xF  }
0xa8: {  	v17 =	vmov s28;
	vm7 =	vmmov vm3;
	v6 =	vsel vm2, $0x3F800000, v7  }
0xa9: {  	vm8 =	veq.s32 v17, v1;
	v18 =	vnsel vm7, $0x0, v6;
	v19 =	vsub.f32 v16, v5  }
0xaa: {  	v10 =	vadd.f32 v15, v10;
	v17 =	vnsel vm8, $0x0, v4;
	(xrf2) =	vadd.scan.msk.f32 $0xffff, v18;
	v15 =	vsub.f32 v16, v4  }
0xab: {  	v11 =	vmul.f32 v11, v11;
	(xrf2) =	vadd.scan.msk.f32 $0xffff, v17;
	v16 =	vmul.f32 v19, v19  }
0xac: {  	vm2 =	vgt.s32 v12, $0x0;
	v12 =	vmul.f32 v14, v14;
	v14 =	vmul.f32 v15, v15  }
0xad: {  	vm3 =	vgt.s32 v13, $0x0;
	v13 =	vsel vm2, $0x3F800000, v0;
	v17, _, _ =	vpop (xrf2);
	v15 =	vsub.f32 $0.0e+00, v16  }
0xae: {  	s29 =	simm.s32 $0x3;
	vm2 =	vmmov vm9;
	v17 =	vbroadcast v17, $0xF;
	v14 =	vsub.f32 $0.0e+00, v14  }
0xaf: {  	vm5 =	vmmov vm2;
	v18 =	vmov s29;
	v15 =	vmul.f32 $1.442695020e+00, v15  }
0xb0: {  	v12 =	vmul.f32 v12, v13;
	v13 =	vsub.f32 v17, v5;
	v14 =	vmul.f32 $1.442695020e+00, v14  }
0xb1: {  	vm6 =	veq.s32 v18, v1;
	v19 =	vnsel vm5, $0x0, v6;
	(erf) = vpow2.f32 v15  }
0xb2: {  	v9 =	vadd.f32 v12, v9;
	v16 =	vsel vm3, $0x3F800000, v0;
	v12 =	vmul.f32 v13, v13  }
0xb3: {  	(xrf2) =	vadd.scan.msk.f32 $0xffff, v19;
	v11 =	vmul.f32 v11, v16;
	v16 =	vsub.f32 v17, v4;
	v15 =	vnsel vm6, $0x0, v4  }
0xb4: {  	vm2 =	vgt.f32 v8, $0.0e+00;
	v12 =	vsub.f32 $0.0e+00, v12;
	(xrf2) =	vadd.scan.msk.f32 $0xffff, v15;
	(erf) = vpow2.f32 v14;
	v14, _, _ =	vpop (xrf2)  }
0xb5: {  	v8 =	vsel vm2, $0x3F800000, v7;
	v10 =	vadd.f32 v11, v10;
	v11 =	vmul.f32 v16, v16;
	v13, _, _ =	vpop (xrf2)  }
0xb6: {  	vm2 =	vmmov vm8;
	v12 =	vmul.f32 $1.442695020e+00, v12;
	v13 =	vbroadcast v13, $0xF  }
0xb7: {  	vm3 =	vmmov vm2;
	v11 =	vsub.f32 $0.0e+00, v11  }
0xb8: {  	v17 =	vnsel vm3, $0x0, v6;
	v16 =	vsub.f32 v13, v5  }
0xb9: {  	s30 =	simm.s32 $0x4;
	v11 =	vmul.f32 $1.442695020e+00, v11;
	v14 =	vbroadcast v14, $0xF;
	v13 =	vsub.f32 v13, v4  }
0xba: {  	v15 =	vmov s30;
	(xrf2) =	vadd.scan.msk.f32 $0xffff, v17;
	(erf) = vpow2.f32 v12;
	v16 =	vmul.f32 v16, v16;
	v12 =	vpop (erf)  }
0xbb: {  	vm2 =	veq.s32 v15, v1;
	v13 =	vmul.f32 v13, v13;
	v12 =	vmul.f32 v12, v14  }
0xbc: {  	v15 =	vnsel vm2, $0x0, v4;
	(erf) = vpow2.f32 v11;
	v11 =	vsub.f32 $0.0e+00, v16  }
0xbd: {  	vm4 =	vmmov vm6;
	v19, _, _ =	vpop (xrf2);
	(xrf2) =	vadd.scan.msk.f32 $0xffff, v15;
	v13 =	vsub.f32 $0.0e+00, v13;
	v12 =	vmul.f32 v12, v8  }
0xbe: {  	vm4 =	vmmov vm4;
	v18, _, _ =	vpop (xrf2);
	v20 =	vmul.f32 $1.442695020e+00, v11  }
0xbf: {  	v16 =	vpop (erf);
	v15 =	vmul.f32 $1.442695020e+00, v13;
	v11 =	vadd.f32 v12, v7;
	v12 =	vnsel vm4, $0x0, v6  }
0xc0: {  	v14 =	vmul.f32 v16, v14;
	v16 =	vbroadcast v18, $0xF;
	(xrf2) =	vadd.scan.msk.f32 $0xffff, v12  }
0xc1: {  	s25 =	simm.s32 $0x5;
	vm11 =	vmmov vm2;
	v13 =	vbroadcast v19, $0xF;
	(erf) = vpow2.f32 v20  }
0xc2: {  	s26 =	simm.s32 $0x6;
	v18 =	vmov s25;
	v17 =	vsub.f32 v16, v5;
	v12 =	vimm.f32 $0.0e+00  }
.LBB2_6:
0xc3: {  	p0 =	sne.s32 s26, $0xF;
	vm12 =	veq.s32 v18, v1;
	v16 =	vsub.f32 v16, v4;
	v18 =	vpop (erf);
	v21 =	vmul.f32 v14, v6  }
0xc4: {  	v19 =	vnsel vm12, $0x0, v4;
	v17 =	vmul.f32 v17, v17;
	v20, _, _ =	vpop (xrf2);
	v22 =	vmul.f32 v18, v13  }
0xc5: {  	(xrf2) =	vadd.scan.msk.f32 $0xffff, v19;
	v16 =	vmul.f32 v16, v16;
	(erf) = vpow2.f32 v15;
	v12 =	vadd.f32 v21, v12  }
.Ltmp2:
0xc6: {  	vm13 =	vmmov vm11;
	v15 =	vsub.f32 $0.0e+00, v17;
	v17 =	vmul.f32 v22, v8;
	v14 =	vpop (erf);
	(pc) =	sbr.rel @p0 .LBB2_6-.Ltmp2, $4  }
0xc7: {  	vm11 =	vmmov vm12;
	v18, _, _ =	vpop (xrf2);
	v19 =	vsub.f32 $0.0e+00, v16;
	v14 =	vmul.f32 v14, v13  }
0xc8: {  	v16 =	vbroadcast v18, $0xF;
	v13 =	vmul.f32 $1.442695020e+00, v15;
	v11 =	vadd.f32 v17, v11  }
0xc9: {  	v21 =	vnsel vm13, $0x0, v6;
	v18 =	vmov s26;
	v15 =	vmul.f32 $1.442695020e+00, v19  }
0xca: {  	s26 =	sadd.s32 $0x1, s26;
	v17 =	vsub.f32 v16, v5;
	(xrf2) =	vadd.scan.msk.f32 $0xffff, v21;
	(erf) = vpow2.f32 v13;
	v13 =	vbroadcast v20, $0xF  }
0xcb: {  	vm12 =	veq.s32 v18, v1  }
0xcc: {  	v18 =	vnsel vm12, $0x0, v4  }
0xcd: {  	(xrf2) =	vadd.scan.msk.f32 $0xffff, v18;
	_ =	sdelay $0x2  }
0xce: {  	vm11 =	vmmov vm11;
	vm12 =	vmmov vm12;
	v18, _, _ =	vpop (xrf2)  }
0xcf: {  	v17 =	vmul.f32 v17, v17;
	v20 =	vnsel vm11, $0x0, v6;
	vm15 =	vmmov vm12;
	v19, _, _ =	vpop (xrf2)  }
0xd0: {  	v16 =	vsub.f32 v16, v4;
	(xrf2) =	vadd.scan.msk.f32 $0xffff, v20;
	v20 =	vnsel vm15, $0x0, v6;
	v19 =	vbroadcast v19, $0xF  }
0xd1: {  	v14 =	vmul.f32 v14, v6;
	v17 =	vsub.f32 $0.0e+00, v17;
	(xrf2) =	vadd.scan.msk.f32 $0xffff, v20;
	v20 =	vnsel vm10, $0x0, v5  }
0xd2: {  	v16 =	vmul.f32 v16, v16;
	v22 =	vsub.f32 v19, v5  }
0xd3: {  	v21 =	vpop (erf);
	v12 =	vadd.f32 v14, v12;
	v14 =	vmul.f32 $1.442695020e+00, v17;
	(xrf2) =	vadd.scan.msk.f32 $0xffff, v20;
	v17 =	vsub.f32 v19, v4  }
0xd4: {  	(erf) = vpow2.f32 v15;
	v20, _, _ =	vpop (xrf2);
	v19 =	vmul.f32 v22, v22  }
0xd5: {  	v21 =	vmul.f32 v21, v13;
	v16 =	vsub.f32 $0.0e+00, v16;
	v17 =	vmul.f32 v17, v17;
	v55, _, _ =	vpop (xrf2)  }
0xd6: {  	(erf) = vpow2.f32 v14;
	v19 =	vsub.f32 $0.0e+00, v19;
	v14 =	vbroadcast v55, $0xF  }
0xd7: {  	v15 =	vmul.f32 v21, v8;
	v56 =	vpop (erf);
	v16 =	vmul.f32 $1.442695020e+00, v16;
	v17 =	vsub.f32 $0.0e+00, v17  }
0xd8: {  	v13 =	vmul.f32 v56, v13;
	v19 =	vmul.f32 $1.442695020e+00, v19;
	v58 =	vsub.f32 v14, v5  }
0xd9: {  	v11 =	vadd.f32 v15, v11;
	(erf) = vpow2.f32 v16;
	v15 =	vmul.f32 $1.442695020e+00, v17  }
0xda: {  	v57 =	vpop (erf);
	v14 =	vsub.f32 v14, v4;
	(erf) = vpow2.f32 v19;
	v16 =	vmul.f32 v58, v58  }
0xdb: {  	v18 =	vbroadcast v18, $0xF;
	v17, _, _ =	vpop (xrf2);
	(erf) = vpow2.f32 v15;
	v15 =	vnsel vm9, $0x0, v5  }
0xdc: {  	v14 =	vmul.f32 v14, v14;
	v19, _, _ =	vpop (xrf2);
	v16 =	vsub.f32 $0.0e+00, v16  }
0xdd: {  	v13 =	vmul.f32 v13, v6;
	v21 =	vmul.f32 v57, v18;
	v59, _, _ =	vpop (xrf2)  }
0xde: {  	(xrf2) =	vadd.scan.msk.f32 $0xffff, v15;
	v14 =	vsub.f32 $0.0e+00, v14;
	v15 =	vpop (erf);
	v22 =	vbroadcast v59, $0xF;
	v16 =	vmul.f32 $1.442695020e+00, v16  }
0xdf: {  	v12 =	vadd.f32 v13, v12;
	v13 =	vmul.f32 v15, v18;
	v15 =	vbroadcast v20, $0xF  }
0xe0: {  	v21 =	vmul.f32 v21, v8;
	v18 =	vpop (erf);
	v14 =	vmul.f32 $1.442695020e+00, v14;
	v20 =	vnsel vm7, $0x0, v8  }
0xe1: {  	(erf) = vpow2.f32 v16;
	v16 =	vsub.f32 v22, v5;
	v18 =	vmul.f32 v18, v15  }
0xe2: {  	v13 =	vmul.f32 v13, v6;
	(erf) = vpow2.f32 v14;
	v14 =	vnsel vm8, $0x0, v5  }
0xe3: {  	v16 =	vmul.f32 v16, v16;
	v18 =	vmul.f32 v18, v8  }
0xe4: {  	v11 =	vadd.f32 v21, v11;
	v17 =	vbroadcast v17, $0xF;
	(xrf2) =	vadd.scan.msk.f32 $0xffff, v20;
	v60 =	vsub.f32 v22, v4;
	v20 =	vpop (erf)  }
0xe5: {  	(xrf2) =	vadd.scan.msk.f32 $0xffff, v14;
	v15 =	vmul.f32 v20, v15;
	v12 =	vadd.f32 v13, v12;
	v14 =	vpop (erf);
	v16 =	vsub.f32 $0.0e+00, v16  }
0xe6: {  	v20 =	vnsel vm5, $0x0, v8;
	v13 =	vmul.f32 v14, v17;
	v14 =	vmul.f32 v60, v60  }
0xe7: {  	v11 =	vadd.f32 v18, v11;
	v15 =	vmul.f32 v15, v6;
	v18 =	vpop (erf);
	v16 =	vmul.f32 $1.442695020e+00, v16  }
0xe8: {  	(xrf2) =	vadd.scan.msk.f32 $0xffff, v20;
	v17 =	vmul.f32 v18, v17;
	v14 =	vsub.f32 $0.0e+00, v14;
	v18 =	vbroadcast v19, $0xF;
	v19, _, _ =	vpop (xrf2)  }
0xe9: {  	(erf) = vpow2.f32 v16;
	v16 =	vbroadcast v19, $0xF  }
0xea: {  	v12 =	vadd.f32 v15, v12;
	v14 =	vmul.f32 $1.442695020e+00, v14  }
0xeb: {  	v13 =	vmul.f32 v13, v8;
	v15 =	vpop (erf);
	v17 =	vmul.f32 v17, v6;
	v61 =	vsub.f32 v16, v5  }
0xec: {  	v19 =	vnsel vm6, $0x0, v5;
	v15 =	vmul.f32 v15, v18;
	v16 =	vsub.f32 v16, v4  }
0xed: {  	v20 =	vpop (erf);
	(erf) = vpow2.f32 v14;
	v12 =	vadd.f32 v17, v12;
	v17 =	vmul.f32 v61, v61  }
0xee: {  	(xrf2) =	vadd.scan.msk.f32 $0xffff, v19;
	v11 =	vadd.f32 v13, v11;
	v13 =	vmul.f32 v15, v8;
	v15 =	vmul.f32 v20, v18;
	v14, _, _ =	vpop (xrf2)  }
0xef: {  	v16 =	vmul.f32 v16, v16;
	v18, _, _ =	vpop (xrf2);
	v17 =	vsub.f32 $0.0e+00, v17  }
0xf0: {  	v11 =	vadd.f32 v13, v11;
	v13 =	vmul.f32 v15, v6;
	v15 =	vbroadcast v18, $0xF  }
0xf1: {  	v19 =	vnsel vm3, $0x0, v8;
	v16 =	vsub.f32 $0.0e+00, v16;
	v17 =	vmul.f32 $1.442695020e+00, v17  }
0xf2: {  	v14 =	vbroadcast v14, $0xF;
	v62, _, _ =	vpop (xrf2);
	v12 =	vadd.f32 v13, v12;
	v13 =	vsub.f32 v15, v5  }
0xf3: {  	(xrf2) =	vadd.scan.msk.f32 $0xffff, v19;
	v16 =	vmul.f32 $1.442695020e+00, v16;
	v18 =	vpop (erf);
	(erf) = vpow2.f32 v17  }
0xf4: {  	v15 =	vsub.f32 v15, v4;
	v18 =	vmul.f32 v18, v14;
	v13 =	vmul.f32 v13, v13  }
0xf5: {  	v20 =	vnsel vm2, $0x0, v5  }
0xf6: {  	(xrf2) =	vadd.scan.msk.f32 $0xffff, v20;
	v15 =	vmul.f32 v15, v15;
	(erf) = vpow2.f32 v16;
	v13 =	vsub.f32 $0.0e+00, v13  }
0xf7: {  	v20 =	vnsel vm4, $0x0, v8;
	v16 =	vmul.f32 v18, v8;
	v17 =	vpop (erf)  }
0xf8: {  	v63 =	vsub.f32 $0.0e+00, v15;
	v15 =	vmul.f32 v17, v14;
	v18, _, _ =	vpop (xrf2);
	v14 =	vmul.f32 $1.442695020e+00, v13  }
0xf9: {  	vm2 =	vmmov vm2;
	(xrf2) =	vadd.scan.msk.f32 $0xffff, v20;
	v17 =	vbroadcast v18, $0xF  }
0xfa: {  	v13 =	vadd.f32 v16, v7;
	v18 =	vmov s25;
	(erf) = vpow2.f32 v14  }
0xfb: {  	v16 =	vmul.f32 $1.442695020e+00, v63;
	s25 =	simm.s32 $0x6;
	v19 =	vsub.f32 v17, v5;
	v14 =	vbroadcast v62, $0xF  }
.LBB2_8:
0xfc: {  	p0 =	sne.s32 s25, $0xD;
	vm3 =	veq.s32 v18, v1;
	v17 =	vsub.f32 v17, v4;
	v18 =	vpop (erf);
	v22 =	vmul.f32 v15, v6  }
0xfd: {  	v20 =	vnsel vm3, $0x0, v5;
	v23 =	vmul.f32 v19, v19;
	v21, _, _ =	vpop (xrf2);
	v18 =	vmul.f32 v18, v14  }
0xfe: {  	(xrf2) =	vadd.scan.msk.f32 $0xffff, v20;
	v17 =	vmul.f32 v17, v17;
	(erf) = vpow2.f32 v16;
	v7 =	vadd.f32 v22, v7  }
.Ltmp3:
0xff: {  	vm4 =	vmmov vm2;
	v16 =	vsub.f32 $0.0e+00, v23;
	v18 =	vmul.f32 v18, v8;
	v15 =	vpop (erf);
	(pc) =	sbr.rel @p0 .LBB2_8-.Ltmp3, $4  }
0x100: {  	vm2 =	vmmov vm3;
	v19, _, _ =	vpop (xrf2);
	v20 =	vsub.f32 $0.0e+00, v17;
	v15 =	vmul.f32 v15, v14  }
0x101: {  	v17 =	vbroadcast v19, $0xF;
	v14 =	vmul.f32 $1.442695020e+00, v16;
	v13 =	vadd.f32 v18, v13  }
0x102: {  	v22 =	vnsel vm4, $0x0, v8;
	v18 =	vmov s25;
	v16 =	vmul.f32 $1.442695020e+00, v20  }
0x103: {  	s25 =	sadd.s32 $0x1, s25;
	v19 =	vsub.f32 v17, v5;
	(xrf2) =	vadd.scan.msk.f32 $0xffff, v22;
	(erf) = vpow2.f32 v14;
	v14 =	vbroadcast v21, $0xF  }
0x104: {  	vm3 =	veq.s32 v18, v1  }
0x105: {  	v18 =	vnsel vm3, $0x0, v5  }
0x106: {  	(xrf2) =	vadd.scan.msk.f32 $0xffff, v18;
	_ =	sdelay $0x4  }
0x107: {  	v28 =	vmul.f32 v19, v19;
	_ =	sdelay $0x1  }
0x108: {  	v29, _, _ =	vpop (xrf2);
	v18 =	vsub.f32 $0.0e+00, v28  }
0x109: {  	v17 =	vsub.f32 v17, v4;
	(erf) = vpow2.f32 v16;
	v15 =	vmul.f32 v15, v6;
	v20, _, _ =	vpop (xrf2)  }
0x10a: {  	v20 =	vbroadcast v20, $0xF;
	v18 =	vmul.f32 $1.442695020e+00, v18;
	v21, _, _ =	vpop (xrf2)  }
0x10b: {  	vm2 =	vmmov vm2;
	vm3 =	vmmov vm3;
	v17 =	vmul.f32 v17, v17;
	v31, _, _ =	vpop (xrf2)  }
0x10c: {  	v30 =	vsub.f32 v20, v5;
	(erf) = vpow2.f32 v18;
	v18 =	vbroadcast v31, $0xF  }
0x10d: {  	v34 =	vnsel vm2, $0x0, v8;
	v17 =	vsub.f32 $0.0e+00, v17;
	v20 =	vsub.f32 v20, v4  }
0x10e: {  	vm2 =	vmmov vm3;
	v16 =	vmul.f32 v30, v30;
	v32 =	vsub.f32 v18, v5  }
0x10f: {  	v17 =	vmul.f32 $1.442695020e+00, v17;
	v20 =	vmul.f32 v20, v20;
	v33 =	vsub.f32 v18, v4  }
0x110: {  	v37 =	vnsel vm2, $0x0, v8;
	v16 =	vsub.f32 $0.0e+00, v16;
	v5 =	vmul.f32 v32, v32  }
0x111: {  	(erf) = vpow2.f32 v17;
	(xrf2) =	vadd.scan.msk.f32 $0xffff, v34;
	v35 =	vsub.f32 $0.0e+00, v20;
	v4 =	vmul.f32 v33, v33  }
0x112: {  	v3 =	vmul.f32 v10, v3;
	(xrf2) =	vadd.scan.msk.f32 $0xffff, v37;
	v16 =	vmul.f32 $1.442695020e+00, v16;
	v5 =	vsub.f32 $0.0e+00, v5  }
0x113: {  	v2 =	vmul.f32 v9, v2;
	v18 =	vmul.f32 $1.442695020e+00, v35;
	v4 =	vsub.f32 $0.0e+00, v4  }
0x114: {  	v36 =	vpop (erf);
	(erf) = vpow2.f32 v16;
	v5 =	vmul.f32 $1.442695020e+00, v5  }
0x115: {  	v40 =	vpop (erf);
	(erf) = vpow2.f32 v18;
	v4 =	vmul.f32 $1.442695020e+00, v4  }
0x116: {  	v38 =	vmul.f32 v36, v14;
	v42 =	vpop (erf);
	(erf) = vpow2.f32 v5  }
0x117: {  	v41 =	vmul.f32 v40, v14;
	(erf) = vpow2.f32 v4  }
0x118: {  	v39 =	vbroadcast v29, $0xF;
	v3 =	vmul.f32 v3, v6;
	v44 =	vpop (erf)  }
0x119: {  	v2 =	vmul.f32 v2, v8;
	v14 =	vmul.f32 v41, v6;
	v45 =	vpop (erf)  }
0x11a: {  	v43 =	vmul.f32 v42, v39;
	v47 =	vbroadcast v21, $0xF;
	v46 =	vpop (erf)  }
0x11b: {  	v7 =	vadd.f32 v15, v7;
	v16 =	vmul.f32 v38, v8;
	v49, _, _ =	vpop (xrf2);
	v4 =	vmul.f32 v44, v39  }
0x11c: {  	v52 =	vmul.f32 v45, v47;
	v50 =	vmul.f32 v46, v47;
	v51, _, _ =	vpop (xrf2)  }
0x11d: {  	v7 =	vadd.f32 v14, v7;
	v9 =	vbroadcast v49, $0xF;
	v48 =	vpop (erf);
	v4 =	vmul.f32 v4, v6  }
0x11e: {  	v13 =	vadd.f32 v16, v13;
	v15 =	vmul.f32 v50, v6;
	v5 =	vmul.f32 v43, v8;
	v53 =	vpop (erf)  }
0x11f: {  	(xrf2) =	vadd.scan.msk.f32 $0xffff, v3;
	v55 =	vbroadcast v51, $0xF;
	v54 =	vmul.f32 v53, v9;
	v3 =	vadd.f32 v4, v7;
	v56 =	vpop (erf)  }
0x120: {  	(xrf2) =	vadd.scan.msk.f32 $0xffff, v2;
	v57 =	vmul.f32 v52, v8;
	v2 =	vadd.f32 v5, v13;
	v9 =	vmul.f32 v48, v9;
	v58 =	vpop (erf)  }
0x121: {  	(xrf2) =	vadd.scan.msk.f32 $0xffff, v6;
	v4 =	vmul.f32 v54, v6;
	v3 =	vadd.f32 v15, v3;
	v10 =	vmul.f32 v58, v55  }
0x122: {  	(xrf2) =	vadd.scan.msk.f32 $0xffff, v8;
	v2 =	vadd.f32 v57, v2;
	v59 =	vmul.f32 v9, v8;
	v7 =	vmul.f32 v56, v55  }
0x123: {  	v3 =	vadd.f32 v4, v3;
	v60 =	vmul.f32 v10, v6  }
0x124: {  	v2 =	vadd.f32 v59, v2;
	v61 =	vmul.f32 v7, v8  }
0x125: {  	v3 =	vadd.f32 v60, v3  }
0x126: {  	v2 =	vadd.f32 v61, v2  }
0x127: {  	v3 =	vadd.f32 v3, v12  }
0x128: {  	v2 =	vadd.f32 v2, v11  }
0x129: {  	v62, _, _ =	vpop (xrf2)  }
0x12a: {  	(v2sf) =	vpush v62, $0xF;
	v63, _, _ =	vpop (xrf2);
	(xrf2) =	vadd.scan.msk.f32 $0xffff, v3  }
0x12b: {  	(v2sf) =	vpush v63, $0xF;
	(xrf2) =	vadd.scan.msk.f32 $0xffff, v2;
	v3, _, _ =	vpop (xrf2)  }
0x12c: {  	(v2sf) =	vpush v3, $0xF;
	v2, _, _ =	vpop (xrf2)  }
0x12d: {  	(v2sf) =	vpush v2, $0xF;
	_ =	sdelay $0x6  }
0x12e: {  	v2, _, _ =	vpop (xrf2)  }
0x12f: {  	(v2sf) =	vpush v2, $0xF;
	v2, _, _ =	vpop (xrf2)  }
0x130: {  	(v2sf) =	vpush v2, $0xF;
	_ =	sdelay $0x2  }
0x131: {  	s25 =	spop (v2sf)  }
0x132: {  	s26 =	spop (v2sf)  }
0x133: {  	s28 =	spop (v2sf)  }
0x134: {  	s29 =	spop (v2sf)  }
0x135: {  	s28 =	sadd.f32 s29, s28;
	_ =	sdelay $0x1  }
0x136: {  	v2 =	vmov s28  }
0x137: {  	v3 =	vadd.f32 $-1.000000000e+00, v2;
	_ =	sdelay $0x1  }
0x138: {  	v3 =	vmul.f32 s28, v3;
	_ =	sdelay $0x1  }
0x139: {  	s29 =	spop (v2sf);
	v3 =	vmax.f32 v3, $1.000000000e+00  }
0x13a: {  	v2 =	vmax.f32 v2, $1.000000000e+00;
	s30 =	spop (v2sf);
	(erf) = vrcp.f32 v3  }
0x13b: {  	s29 =	sadd.f32 s30, s29;
	(erf) = vrcp.f32 v2;
	_ =	sdelay $0x1  }
0x13c: {  	s28 =	ssub.f32 s29, s28;
	_ =	sdelay $0x1  }
0x13d: {  	v2 =	vmov s28  }
0x13e: {  	v2 =	vmul.f32 $5.000000000e-01, v2;
	_ =	sdelay $0x1  }
0x13f: {  	v2 =	vbroadcast v2, $0x0  }
0x140: {  	s25 =	sadd.f32 s26, s25;
	v3 =	vpop (erf)  }
0x141: {  	v2 =	vmul.f32 v2, v3;
	v3 =	vpop (erf)  }
0x142: {  	v3 =	vmul.f32 s25, v3  }
0x143: {  	v2 =	vsel vm0, $0x0, v2  }
0x144: {  	s24 =	sadd.s32 $0x1, s24;
	_ =	strace $0x9000004E;
	v2 =	vsel vm1, v3, v2  }
0x145: {  	p0 =	sne.s32 s24, s7;
	_ =	strace $0x8000004F;
	[tilespmem:$0x780] =	vst v2  }
0x146: {  	[hbm4b:s6+s3] =	stream.linear.scatter [tilespmem:s23], [sflag:$0x2], $0x80, $0x200038;
	[tilespmem:$0x800] =	vst v63  }
.Ltmp4:
0x147: {  	_ = 	snop;
	(pc) =	sbr.rel @p0 .LBB2_1-.Ltmp4, $4  }
0x148: {  	_ =	swait.ge [sflag:s10], $0x80  }
0x149: {  	[sflag:s10] =	ssyncset.done $0x0  }
0x14a: {  	[sflag:s10] =	ssyncadd.s32 $0xFFFFFF80  }
0x14b: {  	_ =	strace $0x9000004F  }
0x14c: {  	_ =	sfence.sel $0x180000  }
0x14d: {  	[bflag:$0x0] =	sbarrier.arrive $0xFFFF  }
0x14e: {  	_ =	strace $0x90000047  }
0x14f: {  	s0 =	stileid.u32;
	[bflag:$0x2] =	sbarrier.arrive $0xFFFF  }
0x150: {  	p0 =	sne.s32 s0, $0x0;
	s0 =	rddreg [dreg:$0x2]  }
0x151: {  	s0 =	sadd.s32 @!p0 $0x100000, s0  }
0x152: {  	[sflag:s0] =	ssyncadd.tile.s32 @!p0 $0x1;
	_ =	shalt  }
.Lfunc_end2:
_tile_overlayer_lowered:
.L_overlay_start_2:
0x153: {  	(tag) =	ssettag $0x2  }
0x154: {  	s0 =	rddreg [dreg:$0x0];
	s2 =	stileid.u32  }
0x155: {  	s1 =	rddreg [dreg:$0x1];
	p0 =	sne.s32 s2, $0x0  }
0x156: {  	s3 =	rddreg [dreg:$0x2];
	[bflag:$0x3] =	sbarrier.arrive $0xFFFF;
	s2 =	simm.s32 @!p0 $0x1C02  }
0x157: {  	[timem:s3], [sflag:s2] =	dma.local @!p0 [hbm:s0], s1  }
0x158: {  	s0 =	simm.s32 @!p0 $0x2  }
0x159: {  	_ =	swait.ge @!p0 [sflag:s0], s1  }
0x15a: {  	s1 =	ssub.s32 @!p0 $0x0, s1;
	[sflag:s0] =	ssyncset.done @!p0 $0x0  }
0x15b: {  	[sflag:s0] =	ssyncadd.s32 @!p0 s1  }
0x15c: {  	[bflag:$0x3] =	sbarrier.arrive $0xFFFF  }
0x15d: {  	_ =	shalt  }

</sc_bundles>
